<compile_context>
chip_gen: v7x
topology: tpu7x:2x2x1
jax: 0.10.2.dev20260603
libtpu: 0.0.44.dev20260713+nightly
codegen_flags: <defaults>
</compile_context>

<pallas_src>
import functools

import jax
import jax.numpy as jnp
from jax import lax
from jax.experimental import pallas as pl
from jax.experimental.pallas import tpu as pltpu
from jax.experimental.pallas import tpu_sc as plsc

_N_GRAPHS = 16


def _mm_key_body(p_ref, x_ref, b_ref, o_ref):
    xp = lax.dot_general(
        p_ref[...], x_ref[...], (((0,), (1,)), ((), ())),
        preferred_element_type=jnp.float32,
    )
    u = lax.bitcast_convert_type(xp, jnp.uint32)
    neg = (u >> jnp.uint32(31)) == jnp.uint32(1)
    mono = jnp.where(neg, ~u, u ^ jnp.uint32(0x80000000))
    bat = b_ref[...].astype(jnp.uint32)
    key_u = (bat << jnp.uint32(28)) | (mono >> jnp.uint32(4))
    o_ref[...] = lax.bitcast_convert_type(key_u ^ jnp.uint32(0x80000000),
                                          jnp.int32)


def _make_keys(x, batch, projections, row_blk=4096, col_blk=128):
    n, c = x.shape
    pr = projections.shape[1]
    grid = (pr // col_blk, n // row_blk)
    return pl.pallas_call(
        _mm_key_body,
        grid=grid,
        in_specs=[
            pl.BlockSpec((c, col_blk), lambda j, i: (0, j)),
            pl.BlockSpec((row_blk, c), lambda j, i: (i, 0)),
            pl.BlockSpec((1, row_blk), lambda j, i: (0, i)),
        ],
        out_specs=pl.BlockSpec((col_blk, row_blk), lambda j, i: (j, i)),
        out_shape=jax.ShapeDtypeStruct((pr, n), jnp.int32),
    )(projections, x, batch.reshape(1, n))


def _cex(a, down, up, lobit, dirbit):
    partner = jnp.where(lobit == 0, down, up)
    take_min = (lobit ^ dirbit) == 0
    return jnp.where(take_min, jnp.minimum(a, partner),
                     jnp.maximum(a, partner))


def _sort_body(n_exp, in_ref, o_ref):
    a = in_ref[...]
    rows = a.shape[1]
    ig = (lax.broadcasted_iota(jnp.int32, a.shape, 1) * 128
          + lax.broadcasted_iota(jnp.int32, a.shape, 2))
    lane = lax.broadcasted_iota(jnp.int32, a.shape, 2)

    def lane_cex(a, j_exp, dirbit):
        j = 1 << j_exp
        down = pltpu.roll(a, 128 - j, 2)
        up = pltpu.roll(a, j, 2)
        return _cex(a, down, up, (lane >> j_exp) & 1, dirbit)

    for k_exp in range(1, min(8, n_exp + 1)):
        dirbit = ((lane if k_exp < 7 else ig) >> k_exp) & 1
        for j_exp in range(k_exp - 1, -1, -1):
            a = lane_cex(a, j_exp, dirbit)

    def level(k_exp, a):
        dirbit = (ig >> k_exp) & 1

        def sub_stage(t, a):
            j_exp = k_exp - 1 - t
            j = jnp.int32(1) << (j_exp - 7)
            down = pltpu.roll(a, rows - j, 1)
            up = pltpu.roll(a, j, 1)
            return _cex(a, down, up, (ig >> j_exp) & 1, dirbit)

        a = lax.fori_loop(jnp.int32(0), k_exp - 8, sub_stage, a)
        down = pltpu.roll(a, rows - 1, 1)
        up = pltpu.roll(a, 1, 1)
        a = _cex(a, down, up, (ig >> 7) & 1, dirbit)
        for j_exp in range(6, -1, -1):
            a = lane_cex(a, j_exp, dirbit)
        return a

    if n_exp >= 8:
        a = lax.fori_loop(jnp.int32(8), jnp.int32(n_exp + 1), level, a)
    o_ref[...] = a


def _sort_keys(keys_t, col_blk=2):
    pr, n = keys_t.shape
    n_exp = n.bit_length() - 1
    assert (1 << n_exp) == n and n % 128 == 0
    rows = n // 128
    k3 = keys_t.reshape(pr, rows, 128)
    out = pl.pallas_call(
        functools.partial(_sort_body, n_exp),
        grid=(pr // col_blk,),
        in_specs=[pl.BlockSpec((col_blk, rows, 128), lambda j: (j, 0, 0))],
        out_specs=pl.BlockSpec((col_blk, rows, 128), lambda j: (j, 0, 0)),
        out_shape=jax.ShapeDtypeStruct((pr, rows, 128), jnp.int32),
    )(k3)
    return out.reshape(pr, n)


def _sc_gather(flat_table, flat_idx):
    info = plsc.get_sparse_core_info()
    nw = info.num_cores * info.num_subcores
    b = flat_idx.shape[0]
    b_per_w = b // nw
    mesh = plsc.VectorSubcoreMesh(core_axis_name="c", subcore_axis_name="s")

    @functools.partial(
        pl.kernel,
        mesh=mesh,
        out_type=jax.ShapeDtypeStruct((b,), jnp.int32),
        scratch_types=[
            pltpu.VMEM((b_per_w,), jnp.int32),
            pltpu.VMEM((b_per_w,), jnp.int32),
            pltpu.SemaphoreType.DMA,
        ],
    )
    def k(table_hbm, idx_hbm, out_hbm, idx_v, vals_v, sem):
        wid = lax.axis_index("s") * info.num_cores + lax.axis_index("c")
        base = wid * b_per_w
        pltpu.sync_copy(idx_hbm.at[pl.ds(base, b_per_w)], idx_v)
        pltpu.async_copy(table_hbm.at[idx_v], vals_v, sem).wait()
        pltpu.sync_copy(vals_v, out_hbm.at[pl.ds(base, b_per_w)])

    return k(flat_table, flat_idx)


def _decode(keys_i32):
    ku = lax.bitcast_convert_type(keys_i32, jnp.uint32) ^ jnp.uint32(0x80000000)
    u = (ku & jnp.uint32(0x0FFFFFFF)) << jnp.uint32(4)
    nonneg = u >= jnp.uint32(0x80000000)
    bits = jnp.where(nonneg, u ^ jnp.uint32(0x80000000), ~u)
    return lax.bitcast_convert_type(bits, jnp.float32)


def kernel(x, batch, projections, cum_weights):
    n, _ = x.shape
    pr = projections.shape[1]
    q = cum_weights.shape[0]
    g = _N_GRAPHS

    keys_t = _make_keys(x, batch, projections)
    sorted_t = _sort_keys(keys_t)

    counts = jnp.bincount(batch, length=g)
    starts = jnp.cumsum(counts) - counts
    scaled = cum_weights[None, :] * (counts[:, None] - 1).astype(cum_weights.dtype)
    qidx = jnp.floor(scaled).astype(jnp.int32)
    gather_idx = starts[:, None].astype(jnp.int32) + qidx
    tok = jnp.clip(gather_idx.reshape(-1), 0, n - 1)

    flat_idx = (jnp.arange(pr, dtype=jnp.int32)[None, :] * n
                + tok[:, None]).reshape(-1)
    rows = _sc_gather(sorted_t.reshape(-1), flat_idx)
    vals = _decode(rows)
    out = vals.reshape(g, q * pr)
    return out / float((q * pr) ** 0.5)

# --- scband reference (transcript-rebuilt; emitter-appended) ---
"""Pipeline reference for scband-swencoder-57638461112690 (READ-ONLY COPY).

The authoritative reference and input builder live on the scoring server;
editing this copy changes nothing except your own understanding.
"""

import jax, jax.numpy as jnp
import numpy as np

IN_CHANNELS = 512
NUM_PROJECTIONS = 512
NUM_QUANTILES = 100
P = 2
N_TOKENS = 32768
N_GRAPHS = 16


def setup_inputs(seed: int = 0) -> dict:
    key = jax.random.key(seed)
    k1, k2, k3 = jax.random.split(key, 3)
    x = jax.random.normal(k1, (N_TOKENS, IN_CHANNELS), dtype=jnp.float32)
    batch = jnp.sort(jax.random.randint(k2, (N_TOKENS,), 0, N_GRAPHS, dtype=jnp.int32))
    projections = jax.random.normal(k3, (IN_CHANNELS, NUM_PROJECTIONS), dtype=jnp.float32)
    projections = projections / jnp.sqrt(jnp.sum(projections ** 2, axis=0, keepdims=True))
    cum_weights = jnp.linspace(0.0, 1.0, NUM_QUANTILES, dtype=jnp.float32)
    return {"x": x, "batch": batch, "projections": projections, "cum_weights": cum_weights}


def reference(x, batch, projections, cum_weights):
    # x: [N, C], batch: sorted segment ids [N], projections: [C, Pr], cum_weights: [Q]
    xp = jnp.matmul(x, projections)  # [N, Pr]
    n_graphs = N_GRAPHS
    counts = jnp.bincount(batch, length=n_graphs)  # [B]
    starts = jnp.cumsum(counts) - counts  # [B]
    bb = jnp.broadcast_to(batch[:, None], xp.shape)
    _, sorted_xp = jax.lax.sort((bb, xp), dimension=0, num_keys=2)  # [N, Pr] sorted within segments
    scaled = cum_weights[None, :] * (counts[:, None] - 1).astype(cum_weights.dtype)  # [B, Q]
    qidx = jnp.floor(scaled).astype(jnp.int32)  # [B, Q]
    gather_idx = starts[:, None].astype(jnp.int32) + qidx  # [B, Q]
    q = sorted_xp[gather_idx]  # [B, Q, Pr]
    out = q.reshape(n_graphs, -1)  # [B, Q*Pr]
    return out / (NUM_QUANTILES * NUM_PROJECTIONS) ** (1.0 / P)

if __name__ == "__main__":
    import jax
    _d = setup_inputs()
    print(jax.jit(kernel)(*tuple(_d.values())))

</pallas_src>

<mosaic_0001>
#map = affine_map<(d0, d1) -> (0)>
module attributes {stable_mosaic.version = 14 : i64} {
  func.func @k(%arg0: i32, %arg1: i32, %arg2: memref<16777216xi32, #tpu.memory_space<hbm>>, %arg3: memref<819200xi32, #tpu.memory_space<hbm>>, %arg4: memref<819200xi32, #tpu.memory_space<hbm>>, %arg5: memref<25600xi32, #tpu.memory_space<vmem>>, %arg6: memref<25600xi32, #tpu.memory_space<vmem>>, %arg7: memref<!tpu.dma_semaphore, #tpu.memory_space<semaphore_mem>>) attributes {dimension_semantics = [#tpu.dimension_semantics<core_parallel>, #tpu.dimension_semantics<subcore_parallel>], iteration_bounds = array<i64: 2, 16>, scalar_prefetch = 0 : i64, scratch_operands = 3 : i64, tpu.core_type = #tpu.core_type<sc_vector_subcore>, window_params = [{transform_indices = #map}, {transform_indices = #map}, {transform_indices = #map}]} {
    %mul3A = arith.constant 2 : i32
    %mul3A_0 = arith.muli %arg1, %mul3A : i32
    %add3A = arith.addi %mul3A_0, %arg0 : i32
    %mul3A_1 = arith.constant 25600 : i32
    %mul3A_2 = arith.muli %add3A, %mul3A_1 : i32
    "tpu.region"() ({
      %run_scoped3A = tpu.sem_alloc : memref<!tpu.dma_semaphore, #tpu.memory_space<semaphore_mem>>
      %dma_start3A_5 = tpu.memref_slice %arg3[%mul3A_2] : memref<819200xi32, #tpu.memory_space<hbm>> -> memref<25600xi32, #tpu.memory_space<hbm>>
      %dma_start3A_6 = tpu.memref_slice %arg3[%mul3A_2] : memref<819200xi32, #tpu.memory_space<hbm>> -> memref<25600xi32, #tpu.memory_space<hbm>>
      tpu.enqueue_dma source(%dma_start3A_6 : memref<25600xi32, #tpu.memory_space<hbm>>) target(%arg5 : memref<25600xi32, #tpu.memory_space<vmem>>) target_semaphore(%run_scoped3A : memref<!tpu.dma_semaphore, #tpu.memory_space<semaphore_mem>>)
      %dma_wait3A_7 = tpu.memref_slice %arg3[%mul3A_2] : memref<819200xi32, #tpu.memory_space<hbm>> -> memref<25600xi32, #tpu.memory_space<hbm>>
      %dma_wait3A_8 = tpu.memref_slice %arg3[%mul3A_2] : memref<819200xi32, #tpu.memory_space<hbm>> -> memref<25600xi32, #tpu.memory_space<hbm>>
      tpu.wait_dma2 semaphore(%run_scoped3A : memref<!tpu.dma_semaphore, #tpu.memory_space<semaphore_mem>>) src(%dma_wait3A_8 : memref<25600xi32, #tpu.memory_space<hbm>>) dst(%arg5 : memref<25600xi32, #tpu.memory_space<vmem>>)
      tpu.yield
    }) : () -> ()
    %dma_start3A = arith.constant 0 : i32
    %dma_start3A_3 = tpu.memref_slice %arg2[%dma_start3A] : memref<16777216xi32, #tpu.memory_space<hbm>> -> memref<16777216xi32, #tpu.memory_space<hbm>>
    tpu.enqueue_indirect_dma source(%dma_start3A_3 : memref<16777216xi32, #tpu.memory_space<hbm>>) target(%arg6 : memref<25600xi32, #tpu.memory_space<vmem>>) offsets(%arg5 : memref<25600xi32, #tpu.memory_space<vmem>>) semaphore(%arg7 : memref<!tpu.dma_semaphore, #tpu.memory_space<semaphore_mem>>)
    %dma_wait3A = arith.constant 0 : i32
    %dma_wait3A_4 = tpu.memref_slice %arg2[%dma_wait3A] : memref<16777216xi32, #tpu.memory_space<hbm>> -> memref<16777216xi32, #tpu.memory_space<hbm>>
    tpu.wait_indirect_dma semaphore(%arg7 : memref<!tpu.dma_semaphore, #tpu.memory_space<semaphore_mem>>) src(%dma_wait3A_4 : memref<16777216xi32, #tpu.memory_space<hbm>>) dst(%arg6 : memref<25600xi32, #tpu.memory_space<vmem>>)
    "tpu.region"() ({
      %run_scoped3A = tpu.sem_alloc : memref<!tpu.dma_semaphore, #tpu.memory_space<semaphore_mem>>
      %dma_start3A_5 = tpu.memref_slice %arg4[%mul3A_2] : memref<819200xi32, #tpu.memory_space<hbm>> -> memref<25600xi32, #tpu.memory_space<hbm>>
      %dma_start3A_6 = tpu.memref_slice %arg4[%mul3A_2] : memref<819200xi32, #tpu.memory_space<hbm>> -> memref<25600xi32, #tpu.memory_space<hbm>>
      tpu.enqueue_dma source(%arg6 : memref<25600xi32, #tpu.memory_space<vmem>>) target(%dma_start3A_6 : memref<25600xi32, #tpu.memory_space<hbm>>) target_semaphore(%run_scoped3A : memref<!tpu.dma_semaphore, #tpu.memory_space<semaphore_mem>>)
      %dma_wait3A_7 = tpu.memref_slice %arg4[%mul3A_2] : memref<819200xi32, #tpu.memory_space<hbm>> -> memref<25600xi32, #tpu.memory_space<hbm>>
      %dma_wait3A_8 = tpu.memref_slice %arg4[%mul3A_2] : memref<819200xi32, #tpu.memory_space<hbm>> -> memref<25600xi32, #tpu.memory_space<hbm>>
      tpu.wait_dma2 semaphore(%run_scoped3A : memref<!tpu.dma_semaphore, #tpu.memory_space<semaphore_mem>>) src(%arg6 : memref<25600xi32, #tpu.memory_space<vmem>>) dst(%dma_wait3A_8 : memref<25600xi32, #tpu.memory_space<hbm>>)
      tpu.yield
    }) : () -> ()
    return
  }
}

module attributes {stable_mosaic.version = 14 : i64} {
  func.func @_mm_key_body(%arg0: i32, %arg1: i32, %arg2: memref<512x128xf32, #tpu.memory_space<vmem>>, %arg3: memref<4096x512xf32, #tpu.memory_space<vmem>>, %arg4: memref<1x4096xi32, #tpu.memory_space<vmem>>, %arg5: memref<128x4096xi32, #tpu.memory_space<vmem>>) attributes {dimension_semantics = [#tpu.dimension_semantics<arbitrary>, #tpu.dimension_semantics<arbitrary>], iteration_bounds = array<i64: 4, 8>, scalar_prefetch = 0 : i64, scratch_operands = 0 : i64, tpu.core_type = #tpu.core_type<tc>, window_params = [{transform_indices = @transform_0, window_bounds = array<i64: 512, 128>}, {transform_indices = @transform_1, window_bounds = array<i64: 4096, 512>}, {transform_indices = @transform_2, window_bounds = array<i64: 1, 4096>}, {transform_indices = @transform_3, window_bounds = array<i64: 128, 4096>}]} {
    %get3A = arith.constant 0 : index
    %get3A_0 = arith.constant 0 : index
    %get3A_1 = vector.load %arg2[%get3A, %get3A_0] : memref<512x128xf32, #tpu.memory_space<vmem>>, vector<512x128xf32>
    %get3A_2 = arith.constant 0 : index
    %get3A_3 = arith.constant 0 : index
    %get3A_4 = vector.load %arg3[%get3A_2, %get3A_3] : memref<4096x512xf32, #tpu.memory_space<vmem>>, vector<4096x512xf32>
    %dot_general3A = arith.constant dense<0.000000e+00> : vector<128x4096xf32>
    %dot_general3A_5 = tpu.matmul %get3A_1, %get3A_4, %dot_general3A {dimension_numbers = #tpu.dot_dimension_numbers<[0], [1], [1], [0], [0, 1, 1, 0], [], []>, transpose_lhs_hint = false} : vector<512x128xf32>, vector<4096x512xf32>, vector<128x4096xf32> -> vector<128x4096xf32>
    %bitcast_convert_type3A = tpu.bitcast %dot_general3A_5 : vector<128x4096xf32> -> vector<128x4096xi32>
    %shift_right_logical3A = arith.constant 31 : i32
    %shift_right_logical3A_6 = vector.broadcast %shift_right_logical3A : i32 to vector<128x4096xi32>
    %shift_right_logical3A_7 = arith.shrui %bitcast_convert_type3A, %shift_right_logical3A_6 : vector<128x4096xi32>
    %eq3A = arith.constant 1 : i32
    %eq3A_8 = vector.broadcast %eq3A : i32 to vector<128x4096xi32>
    %eq3A_9 = arith.cmpi eq, %shift_right_logical3A_7, %eq3A_8 : vector<128x4096xi32>
    %not3A = arith.constant dense<-1> : vector<128x4096xi32>
    %not3A_10 = arith.xori %bitcast_convert_type3A, %not3A : vector<128x4096xi32>
    %xor3A = arith.constant -2147483648 : i32
    %xor3A_11 = vector.broadcast %xor3A : i32 to vector<128x4096xi32>
    %xor3A_12 = arith.xori %bitcast_convert_type3A, %xor3A_11 : vector<128x4096xi32>
    %select_n3A = arith.select %eq3A_9, %not3A_10, %xor3A_12 : vector<128x4096xi1>, vector<128x4096xi32>
    %get3A_13 = arith.constant 0 : index
    %get3A_14 = arith.constant 0 : index
    %get3A_15 = vector.load %arg4[%get3A_13, %get3A_14] : memref<1x4096xi32, #tpu.memory_space<vmem>>, vector<1x4096xi32>
    %shift_left3A = arith.constant 28 : i32
    %shift_left3A_16 = vector.broadcast %shift_left3A : i32 to vector<1x4096xi32>
    %shift_left3A_17 = arith.shli %get3A_15, %shift_left3A_16 : vector<1x4096xi32>
    %shift_right_logical3A_18 = arith.constant 4 : i32
    %shift_right_logical3A_19 = vector.broadcast %shift_right_logical3A_18 : i32 to vector<128x4096xi32>
    %shift_right_logical3A_20 = arith.shrui %select_n3A, %shift_right_logical3A_19 : vector<128x4096xi32>
    %or3A = vector.broadcast %shift_left3A_17 : vector<1x4096xi32> to vector<128x4096xi32>
    %or3A_21 = arith.ori %or3A, %shift_right_logical3A_20 : vector<128x4096xi32>
    %xor3A_22 = arith.constant -2147483648 : i32
    %xor3A_23 = vector.broadcast %xor3A_22 : i32 to vector<128x4096xi32>
    %xor3A_24 = arith.xori %or3A_21, %xor3A_23 : vector<128x4096xi32>
    %bitcast_convert_type3A_25 = tpu.bitcast %xor3A_24 : vector<128x4096xi32> -> vector<128x4096xi32>
    %swap3A = arith.constant 0 : index
    %swap3A_26 = arith.constant 0 : index
    %swap3A_27 = vector.load %arg5[%swap3A, %swap3A_26] : memref<128x4096xi32, #tpu.memory_space<vmem>>, vector<128x4096xi32>
    tpu.vector_store %arg5[%swap3A, %swap3A_26], %bitcast_convert_type3A_25 {strides = array<i32>} : memref<128x4096xi32, #tpu.memory_space<vmem>>, vector<128x4096xi32>,
    return
  }
  func.func @transform_0(%arg0: i32, %arg1: i32) -> (i32, i32) {
    %c0_i32 = arith.constant 0 : i32
    %c0_i32_0 = arith.constant 0 : i32
    return %c0_i32, %arg0 : i32, i32
  }
  func.func @transform_1(%arg0: i32, %arg1: i32) -> (i32, i32) {
    %c0_i32 = arith.constant 0 : i32
    %c0_i32_0 = arith.constant 0 : i32
    return %arg1, %c0_i32 : i32, i32
  }
  func.func @transform_2(%arg0: i32, %arg1: i32) -> (i32, i32) {
    %c0_i32 = arith.constant 0 : i32
    %c0_i32_0 = arith.constant 0 : i32
    return %c0_i32, %arg1 : i32, i32
  }
  func.func @transform_3(%arg0: i32, %arg1: i32) -> (i32, i32) {
    %c0_i32 = arith.constant 0 : i32
    return %arg0, %arg1 : i32, i32
  }
}

module attributes {stable_mosaic.version = 14 : i64} {
  func.func @_sort_body(%arg0: i32, %arg1: memref<2x256x128xi32, #tpu.memory_space<vmem>>, %arg2: memref<2x256x128xi32, #tpu.memory_space<vmem>>) attributes {dimension_semantics = [#tpu.dimension_semantics<arbitrary>], iteration_bounds = array<i64: 256>, scalar_prefetch = 0 : i64, scratch_operands = 0 : i64, tpu.core_type = #tpu.core_type<tc>, window_params = [{transform_indices = @transform_0, window_bounds = array<i64: 2, 256, 128>}, {transform_indices = @transform_1, window_bounds = array<i64: 2, 256, 128>}]} {
    %get3A = arith.constant 0 : index
    %get3A_0 = arith.constant 0 : index
    %get3A_1 = arith.constant 0 : index
    %get3A_2 = vector.load %arg1[%get3A, %get3A_0, %get3A_1] : memref<2x256x128xi32, #tpu.memory_space<vmem>>, vector<2x256x128xi32>
    %iota3A = tpu.iota {dimensions = array<i32: 1>} : vector<2x256x128xi32>
    %mul3A = arith.constant 128 : i32
    %mul3A_3 = vector.broadcast %mul3A : i32 to vector<2x256x128xi32>
    %mul3A_4 = arith.muli %iota3A, %mul3A_3 : vector<2x256x128xi32>
    %iota3A_5 = tpu.iota {dimensions = array<i32: 2>} : vector<2x256x128xi32>
    %add3A = arith.addi %mul3A_4, %iota3A_5 : vector<2x256x128xi32>
    %iota3A_6 = tpu.iota {dimensions = array<i32: 2>} : vector<2x256x128xi32>
    %shift_right_arithmetic3A = arith.constant 1 : i32
    %shift_right_arithmetic3A_7 = vector.broadcast %shift_right_arithmetic3A : i32 to vector<2x256x128xi32>
    %shift_right_arithmetic3A_8 = arith.shrsi %iota3A_6, %shift_right_arithmetic3A_7 : vector<2x256x128xi32>
    %and3A = arith.constant 1 : i32
    %and3A_9 = vector.broadcast %and3A : i32 to vector<2x256x128xi32>
    %and3A_10 = arith.andi %shift_right_arithmetic3A_8, %and3A_9 : vector<2x256x128xi32>
    %roll3A = arith.constant 127 : i32
    %roll3A_11 = tpu.dynamic_rotate %get3A_2 by %roll3A dim 2 : vector<2x256x128xi32>, i32 -> vector<2x256x128xi32>
    %roll3A_12 = arith.constant 1 : i32
    %roll3A_13 = tpu.dynamic_rotate %get3A_2 by %roll3A_12 dim 2 : vector<2x256x128xi32>, i32 -> vector<2x256x128xi32>
    %shift_right_arithmetic3A_14 = arith.constant 0 : i32
    %shift_right_arithmetic3A_15 = vector.broadcast %shift_right_arithmetic3A_14 : i32 to vector<2x256x128xi32>
    %shift_right_arithmetic3A_16 = arith.shrsi %iota3A_6, %shift_right_arithmetic3A_15 : vector<2x256x128xi32>
    %and3A_17 = arith.constant 1 : i32
    %and3A_18 = vector.broadcast %and3A_17 : i32 to vector<2x256x128xi32>
    %and3A_19 = arith.andi %shift_right_arithmetic3A_16, %and3A_18 : vector<2x256x128xi32>
    %eq3A = arith.constant 0 : i32
    %eq3A_20 = vector.broadcast %eq3A : i32 to vector<2x256x128xi32>
    %eq3A_21 = arith.cmpi eq, %and3A_19, %eq3A_20 : vector<2x256x128xi32>
    %select_n3A = arith.select %eq3A_21, %roll3A_11, %roll3A_13 : vector<2x256x128xi1>, vector<2x256x128xi32>
    %xor3A = arith.xori %and3A_19, %and3A_10 : vector<2x256x128xi32>
    %eq3A_22 = arith.constant 0 : i32
    %eq3A_23 = vector.broadcast %eq3A_22 : i32 to vector<2x256x128xi32>
    %eq3A_24 = arith.cmpi eq, %xor3A, %eq3A_23 : vector<2x256x128xi32>
    %min3A = arith.minsi %get3A_2, %select_n3A : vector<2x256x128xi32>
    %max3A = arith.maxsi %get3A_2, %select_n3A : vector<2x256x128xi32>
    %select_n3A_25 = arith.select %eq3A_24, %min3A, %max3A : vector<2x256x128xi1>, vector<2x256x128xi32>
    %shift_right_arithmetic3A_26 = arith.constant 2 : i32
    %shift_right_arithmetic3A_27 = vector.broadcast %shift_right_arithmetic3A_26 : i32 to vector<2x256x128xi32>
    %shift_right_arithmetic3A_28 = arith.shrsi %iota3A_6, %shift_right_arithmetic3A_27 : vector<2x256x128xi32>
    %and3A_29 = arith.constant 1 : i32
    %and3A_30 = vector.broadcast %and3A_29 : i32 to vector<2x256x128xi32>
    %and3A_31 = arith.andi %shift_right_arithmetic3A_28, %and3A_30 : vector<2x256x128xi32>
    %roll3A_32 = arith.constant 126 : i32
    %roll3A_33 = tpu.dynamic_rotate %select_n3A_25 by %roll3A_32 dim 2 : vector<2x256x128xi32>, i32 -> vector<2x256x128xi32>
    %roll3A_34 = arith.constant 2 : i32
    %roll3A_35 = tpu.dynamic_rotate %select_n3A_25 by %roll3A_34 dim 2 : vector<2x256x128xi32>, i32 -> vector<2x256x128xi32>
    %shift_right_arithmetic3A_36 = arith.constant 1 : i32
    %shift_right_arithmetic3A_37 = vector.broadcast %shift_right_arithmetic3A_36 : i32 to vector<2x256x128xi32>
    %shift_right_arithmetic3A_38 = arith.shrsi %iota3A_6, %shift_right_arithmetic3A_37 : vector<2x256x128xi32>
    %and3A_39 = arith.constant 1 : i32
    %and3A_40 = vector.broadcast %and3A_39 : i32 to vector<2x256x128xi32>
    %and3A_41 = arith.andi %shift_right_arithmetic3A_38, %and3A_40 : vector<2x256x128xi32>
    %eq3A_42 = arith.constant 0 : i32
    %eq3A_43 = vector.broadcast %eq3A_42 : i32 to vector<2x256x128xi32>
    %eq3A_44 = arith.cmpi eq, %and3A_41, %eq3A_43 : vector<2x256x128xi32>
    %select_n3A_45 = arith.select %eq3A_44, %roll3A_33, %roll3A_35 : vector<2x256x128xi1>, vector<2x256x128xi32>
    %xor3A_46 = arith.xori %and3A_41, %and3A_31 : vector<2x256x128xi32>
    %eq3A_47 = arith.constant 0 : i32
    %eq3A_48 = vector.broadcast %eq3A_47 : i32 to vector<2x256x128xi32>
    %eq3A_49 = arith.cmpi eq, %xor3A_46, %eq3A_48 : vector<2x256x128xi32>
    %min3A_50 = arith.minsi %select_n3A_25, %select_n3A_45 : vector<2x256x128xi32>
    %max3A_51 = arith.maxsi %select_n3A_25, %select_n3A_45 : vector<2x256x128xi32>
    %select_n3A_52 = arith.select %eq3A_49, %min3A_50, %max3A_51 : vector<2x256x128xi1>, vector<2x256x128xi32>
    %roll3A_53 = arith.constant 127 : i32
    %roll3A_54 = tpu.dynamic_rotate %select_n3A_52 by %roll3A_53 dim 2 : vector<2x256x128xi32>, i32 -> vector<2x256x128xi32>
    %roll3A_55 = arith.constant 1 : i32
    %roll3A_56 = tpu.dynamic_rotate %select_n3A_52 by %roll3A_55 dim 2 : vector<2x256x128xi32>, i32 -> vector<2x256x128xi32>
    %shift_right_arithmetic3A_57 = arith.constant 0 : i32
    %shift_right_arithmetic3A_58 = vector.broadcast %shift_right_arithmetic3A_57 : i32 to vector<2x256x128xi32>
    %shift_right_arithmetic3A_59 = arith.shrsi %iota3A_6, %shift_right_arithmetic3A_58 : vector<2x256x128xi32>
    %and3A_60 = arith.constant 1 : i32
    %and3A_61 = vector.broadcast %and3A_60 : i32 to vector<2x256x128xi32>
    %and3A_62 = arith.andi %shift_right_arithmetic3A_59, %and3A_61 : vector<2x256x128xi32>
    %eq3A_63 = arith.constant 0 : i32
    %eq3A_64 = vector.broadcast %eq3A_63 : i32 to vector<2x256x128xi32>
    %eq3A_65 = arith.cmpi eq, %and3A_62, %eq3A_64 : vector<2x256x128xi32>
    %select_n3A_66 = arith.select %eq3A_65, %roll3A_54, %roll3A_56 : vector<2x256x128xi1>, vector<2x256x128xi32>
    %xor3A_67 = arith.xori %and3A_62, %and3A_31 : vector<2x256x128xi32>
    %eq3A_68 = arith.constant 0 : i32
    %eq3A_69 = vector.broadcast %eq3A_68 : i32 to vector<2x256x128xi32>
    %eq3A_70 = arith.cmpi eq, %xor3A_67, %eq3A_69 : vector<2x256x128xi32>
    %min3A_71 = arith.minsi %select_n3A_52, %select_n3A_66 : vector<2x256x128xi32>
    %max3A_72 = arith.maxsi %select_n3A_52, %select_n3A_66 : vector<2x256x128xi32>
    %select_n3A_73 = arith.select %eq3A_70, %min3A_71, %max3A_72 : vector<2x256x128xi1>, vector<2x256x128xi32>
    %shift_right_arithmetic3A_74 = arith.constant 3 : i32
    %shift_right_arithmetic3A_75 = vector.broadcast %shift_right_arithmetic3A_74 : i32 to vector<2x256x128xi32>
    %shift_right_arithmetic3A_76 = arith.shrsi %iota3A_6, %shift_right_arithmetic3A_75 : vector<2x256x128xi32>
    %and3A_77 = arith.constant 1 : i32
    %and3A_78 = vector.broadcast %and3A_77 : i32 to vector<2x256x128xi32>
    %and3A_79 = arith.andi %shift_right_arithmetic3A_76, %and3A_78 : vector<2x256x128xi32>
    %roll3A_80 = arith.constant 124 : i32
    %roll3A_81 = tpu.dynamic_rotate %select_n3A_73 by %roll3A_80 dim 2 : vector<2x256x128xi32>, i32 -> vector<2x256x128xi32>
    %roll3A_82 = arith.constant 4 : i32
    %roll3A_83 = tpu.dynamic_rotate %select_n3A_73 by %roll3A_82 dim 2 : vector<2x256x128xi32>, i32 -> vector<2x256x128xi32>
    %shift_right_arithmetic3A_84 = arith.constant 2 : i32
    %shift_right_arithmetic3A_85 = vector.broadcast %shift_right_arithmetic3A_84 : i32 to vector<2x256x128xi32>
    %shift_right_arithmetic3A_86 = arith.shrsi %iota3A_6, %shift_right_arithmetic3A_85 : vector<2x256x128xi32>
    %and3A_87 = arith.constant 1 : i32
    %and3A_88 = vector.broadcast %and3A_87 : i32 to vector<2x256x128xi32>
    %and3A_89 = arith.andi %shift_right_arithmetic3A_86, %and3A_88 : vector<2x256x128xi32>
    %eq3A_90 = arith.constant 0 : i32
    %eq3A_91 = vector.broadcast %eq3A_90 : i32 to vector<2x256x128xi32>
    %eq3A_92 = arith.cmpi eq, %and3A_89, %eq3A_91 : vector<2x256x128xi32>
    %select_n3A_93 = arith.select %eq3A_92, %roll3A_81, %roll3A_83 : vector<2x256x128xi1>, vector<2x256x128xi32>
    %xor3A_94 = arith.xori %and3A_89, %and3A_79 : vector<2x256x128xi32>
    %eq3A_95 = arith.constant 0 : i32
    %eq3A_96 = vector.broadcast %eq3A_95 : i32 to vector<2x256x128xi32>
    %eq3A_97 = arith.cmpi eq, %xor3A_94, %eq3A_96 : vector<2x256x128xi32>
    %min3A_98 = arith.minsi %select_n3A_73, %select_n3A_93 : vector<2x256x128xi32>
    %max3A_99 = arith.maxsi %select_n3A_73, %select_n3A_93 : vector<2x256x128xi32>
    %select_n3A_100 = arith.select %eq3A_97, %min3A_98, %max3A_99 : vector<2x256x128xi1>, vector<2x256x128xi32>
    %roll3A_101 = arith.constant 126 : i32
    %roll3A_102 = tpu.dynamic_rotate %select_n3A_100 by %roll3A_101 dim 2 : vector<2x256x128xi32>, i32 -> vector<2x256x128xi32>
    %roll3A_103 = arith.constant 2 : i32
    %roll3A_104 = tpu.dynamic_rotate %select_n3A_100 by %roll3A_103 dim 2 : vector<2x256x128xi32>, i32 -> vector<2x256x128xi32>
    %shift_right_arithmetic3A_105 = arith.constant 1 : i32
    %shift_right_arithmetic3A_106 = vector.broadcast %shift_right_arithmetic3A_105 : i32 to vector<2x256x128xi32>
    %shift_right_arithmetic3A_107 = arith.shrsi %iota3A_6, %shift_right_arithmetic3A_106 : vector<2x256x128xi32>
    %and3A_108 = arith.constant 1 : i32
    %and3A_109 = vector.broadcast %and3A_108 : i32 to vector<2x256x128xi32>
    %and3A_110 = arith.andi %shift_right_arithmetic3A_107, %and3A_109 : vector<2x256x128xi32>
    %eq3A_111 = arith.constant 0 : i32
    %eq3A_112 = vector.broadcast %eq3A_111 : i32 to vector<2x256x128xi32>
    %eq3A_113 = arith.cmpi eq, %and3A_110, %eq3A_112 : vector<2x256x128xi32>
    %select_n3A_114 = arith.select %eq3A_113, %roll3A_102, %roll3A_104 : vector<2x256x128xi1>, vector<2x256x128xi32>
    %xor3A_115 = arith.xori %and3A_110, %and3A_79 : vector<2x256x128xi32>
    %eq3A_116 = arith.constant 0 : i32
    %eq3A_117 = vector.broadcast %eq3A_116 : i32 to vector<2x256x128xi32>
    %eq3A_118 = arith.cmpi eq, %xor3A_115, %eq3A_117 : vector<2x256x128xi32>
    %min3A_119 = arith.minsi %select_n3A_100, %select_n3A_114 : vector<2x256x128xi32>
    %max3A_120 = arith.maxsi %select_n3A_100, %select_n3A_114 : vector<2x256x128xi32>
    %select_n3A_121 = arith.select %eq3A_118, %min3A_119, %max3A_120 : vector<2x256x128xi1>, vector<2x256x128xi32>
    %roll3A_122 = arith.constant 127 : i32
    %roll3A_123 = tpu.dynamic_rotate %select_n3A_121 by %roll3A_122 dim 2 : vector<2x256x128xi32>, i32 -> vector<2x256x128xi32>
    %roll3A_124 = arith.constant 1 : i32
    %roll3A_125 = tpu.dynamic_rotate %select_n3A_121 by %roll3A_124 dim 2 : vector<2x256x128xi32>, i32 -> vector<2x256x128xi32>
    %shift_right_arithmetic3A_126 = arith.constant 0 : i32
    %shift_right_arithmetic3A_127 = vector.broadcast %shift_right_arithmetic3A_126 : i32 to vector<2x256x128xi32>
    %shift_right_arithmetic3A_128 = arith.shrsi %iota3A_6, %shift_right_arithmetic3A_127 : vector<2x256x128xi32>
    %and3A_129 = arith.constant 1 : i32
    %and3A_130 = vector.broadcast %and3A_129 : i32 to vector<2x256x128xi32>
    %and3A_131 = arith.andi %shift_right_arithmetic3A_128, %and3A_130 : vector<2x256x128xi32>
    %eq3A_132 = arith.constant 0 : i32
    %eq3A_133 = vector.broadcast %eq3A_132 : i32 to vector<2x256x128xi32>
    %eq3A_134 = arith.cmpi eq, %and3A_131, %eq3A_133 : vector<2x256x128xi32>
    %select_n3A_135 = arith.select %eq3A_134, %roll3A_123, %roll3A_125 : vector<2x256x128xi1>, vector<2x256x128xi32>
    %xor3A_136 = arith.xori %and3A_131, %and3A_79 : vector<2x256x128xi32>
    %eq3A_137 = arith.constant 0 : i32
    %eq3A_138 = vector.broadcast %eq3A_137 : i32 to vector<2x256x128xi32>
    %eq3A_139 = arith.cmpi eq, %xor3A_136, %eq3A_138 : vector<2x256x128xi32>
    %min3A_140 = arith.minsi %select_n3A_121, %select_n3A_135 : vector<2x256x128xi32>
    %max3A_141 = arith.maxsi %select_n3A_121, %select_n3A_135 : vector<2x256x128xi32>
    %select_n3A_142 = arith.select %eq3A_139, %min3A_140, %max3A_141 : vector<2x256x128xi1>, vector<2x256x128xi32>
    %shift_right_arithmetic3A_143 = arith.constant 4 : i32
    %shift_right_arithmetic3A_144 = vector.broadcast %shift_right_arithmetic3A_143 : i32 to vector<2x256x128xi32>
    %shift_right_arithmetic3A_145 = arith.shrsi %iota3A_6, %shift_right_arithmetic3A_144 : vector<2x256x128xi32>
    %and3A_146 = arith.constant 1 : i32
    %and3A_147 = vector.broadcast %and3A_146 : i32 to vector<2x256x128xi32>
    %and3A_148 = arith.andi %shift_right_arithmetic3A_145, %and3A_147 : vector<2x256x128xi32>
    %roll3A_149 = arith.constant 120 : i32
    %roll3A_150 = tpu.dynamic_rotate %select_n3A_142 by %roll3A_149 dim 2 : vector<2x256x128xi32>, i32 -> vector<2x256x128xi32>
    %roll3A_151 = arith.constant 8 : i32
    %roll3A_152 = tpu.dynamic_rotate %select_n3A_142 by %roll3A_151 dim 2 : vector<2x256x128xi32>, i32 -> vector<2x256x128xi32>
    %shift_right_arithmetic3A_153 = arith.constant 3 : i32
    %shift_right_arithmetic3A_154 = vector.broadcast %shift_right_arithmetic3A_153 : i32 to vector<2x256x128xi32>
    %shift_right_arithmetic3A_155 = arith.shrsi %iota3A_6, %shift_right_arithmetic3A_154 : vector<2x256x128xi32>
    %and3A_156 = arith.constant 1 : i32
    %and3A_157 = vector.broadcast %and3A_156 : i32 to vector<2x256x128xi32>
    %and3A_158 = arith.andi %shift_right_arithmetic3A_155, %and3A_157 : vector<2x256x128xi32>
    %eq3A_159 = arith.constant 0 : i32
    %eq3A_160 = vector.broadcast %eq3A_159 : i32 to vector<2x256x128xi32>
    %eq3A_161 = arith.cmpi eq, %and3A_158, %eq3A_160 : vector<2x256x128xi32>
    %select_n3A_162 = arith.select %eq3A_161, %roll3A_150, %roll3A_152 : vector<2x256x128xi1>, vector<2x256x128xi32>
    %xor3A_163 = arith.xori %and3A_158, %and3A_148 : vector<2x256x128xi32>
    %eq3A_164 = arith.constant 0 : i32
    %eq3A_165 = vector.broadcast %eq3A_164 : i32 to vector<2x256x128xi32>
    %eq3A_166 = arith.cmpi eq, %xor3A_163, %eq3A_165 : vector<2x256x128xi32>
    %min3A_167 = arith.minsi %select_n3A_142, %select_n3A_162 : vector<2x256x128xi32>
    %max3A_168 = arith.maxsi %select_n3A_142, %select_n3A_162 : vector<2x256x128xi32>
    %select_n3A_169 = arith.select %eq3A_166, %min3A_167, %max3A_168 : vector<2x256x128xi1>, vector<2x256x128xi32>
    %roll3A_170 = arith.constant 124 : i32
    %roll3A_171 = tpu.dynamic_rotate %select_n3A_169 by %roll3A_170 dim 2 : vector<2x256x128xi32>, i32 -> vector<2x256x128xi32>
    %roll3A_172 = arith.constant 4 : i32
    %roll3A_173 = tpu.dynamic_rotate %select_n3A_169 by %roll3A_172 dim 2 : vector<2x256x128xi32>, i32 -> vector<2x256x128xi32>
    %shift_right_arithmetic3A_174 = arith.constant 2 : i32
    %shift_right_arithmetic3A_175 = vector.broadcast %shift_right_arithmetic3A_174 : i32 to vector<2x256x128xi32>
    %shift_right_arithmetic3A_176 = arith.shrsi %iota3A_6, %shift_right_arithmetic3A_175 : vector<2x256x128xi32>
    %and3A_177 = arith.constant 1 : i32
    %and3A_178 = vector.broadcast %and3A_177 : i32 to vector<2x256x128xi32>
    %and3A_179 = arith.andi %shift_right_arithmetic3A_176, %and3A_178 : vector<2x256x128xi32>
    %eq3A_180 = arith.constant 0 : i32
    %eq3A_181 = vector.broadcast %eq3A_180 : i32 to vector<2x256x128xi32>
    %eq3A_182 = arith.cmpi eq, %and3A_179, %eq3A_181 : vector<2x256x128xi32>
    %select_n3A_183 = arith.select %eq3A_182, %roll3A_171, %roll3A_173 : vector<2x256x128xi1>, vector<2x256x128xi32>
    %xor3A_184 = arith.xori %and3A_179, %and3A_148 : vector<2x256x128xi32>
    %eq3A_185 = arith.constant 0 : i32
    %eq3A_186 = vector.broadcast %eq3A_185 : i32 to vector<2x256x128xi32>
    %eq3A_187 = arith.cmpi eq, %xor3A_184, %eq3A_186 : vector<2x256x128xi32>
    %min3A_188 = arith.minsi %select_n3A_169, %select_n3A_183 : vector<2x256x128xi32>
    %max3A_189 = arith.maxsi %select_n3A_169, %select_n3A_183 : vector<2x256x128xi32>
    %select_n3A_190 = arith.select %eq3A_187, %min3A_188, %max3A_189 : vector<2x256x128xi1>, vector<2x256x128xi32>
    %roll3A_191 = arith.constant 126 : i32
    %roll3A_192 = tpu.dynamic_rotate %select_n3A_190 by %roll3A_191 dim 2 : vector<2x256x128xi32>, i32 -> vector<2x256x128xi32>
    %roll3A_193 = arith.constant 2 : i32
    %roll3A_194 = tpu.dynamic_rotate %select_n3A_190 by %roll3A_193 dim 2 : vector<2x256x128xi32>, i32 -> vector<2x256x128xi32>
    %shift_right_arithmetic3A_195 = arith.constant 1 : i32
    %shift_right_arithmetic3A_196 = vector.broadcast %shift_right_arithmetic3A_195 : i32 to vector<2x256x128xi32>
    %shift_right_arithmetic3A_197 = arith.shrsi %iota3A_6, %shift_right_arithmetic3A_196 : vector<2x256x128xi32>
    %and3A_198 = arith.constant 1 : i32
    %and3A_199 = vector.broadcast %and3A_198 : i32 to vector<2x256x128xi32>
    %and3A_200 = arith.andi %shift_right_arithmetic3A_197, %and3A_199 : vector<2x256x128xi32>
    %eq3A_201 = arith.constant 0 : i32
    %eq3A_202 = vector.broadcast %eq3A_201 : i32 to vector<2x256x128xi32>
    %eq3A_203 = arith.cmpi eq, %and3A_200, %eq3A_202 : vector<2x256x128xi32>
    %select_n3A_204 = arith.select %eq3A_203, %roll3A_192, %roll3A_194 : vector<2x256x128xi1>, vector<2x256x128xi32>
    %xor3A_205 = arith.xori %and3A_200, %and3A_148 : vector<2x256x128xi32>
    %eq3A_206 = arith.constant 0 : i32
    %eq3A_207 = vector.broadcast %eq3A_206 : i32 to vector<2x256x128xi32>
    %eq3A_208 = arith.cmpi eq, %xor3A_205, %eq3A_207 : vector<2x256x128xi32>
    %min3A_209 = arith.minsi %select_n3A_190, %select_n3A_204 : vector<2x256x128xi32>
    %max3A_210 = arith.maxsi %select_n3A_190, %select_n3A_204 : vector<2x256x128xi32>
    %select_n3A_211 = arith.select %eq3A_208, %min3A_209, %max3A_210 : vector<2x256x128xi1>, vector<2x256x128xi32>
    %roll3A_212 = arith.constant 127 : i32
    %roll3A_213 = tpu.dynamic_rotate %select_n3A_211 by %roll3A_212 dim 2 : vector<2x256x128xi32>, i32 -> vector<2x256x128xi32>
    %roll3A_214 = arith.constant 1 : i32
    %roll3A_215 = tpu.dynamic_rotate %select_n3A_211 by %roll3A_214 dim 2 : vector<2x256x128xi32>, i32 -> vector<2x256x128xi32>
    %shift_right_arithmetic3A_216 = arith.constant 0 : i32
    %shift_right_arithmetic3A_217 = vector.broadcast %shift_right_arithmetic3A_216 : i32 to vector<2x256x128xi32>
    %shift_right_arithmetic3A_218 = arith.shrsi %iota3A_6, %shift_right_arithmetic3A_217 : vector<2x256x128xi32>
    %and3A_219 = arith.constant 1 : i32
    %and3A_220 = vector.broadcast %and3A_219 : i32 to vector<2x256x128xi32>
    %and3A_221 = arith.andi %shift_right_arithmetic3A_218, %and3A_220 : vector<2x256x128xi32>
    %eq3A_222 = arith.constant 0 : i32
    %eq3A_223 = vector.broadcast %eq3A_222 : i32 to vector<2x256x128xi32>
    %eq3A_224 = arith.cmpi eq, %and3A_221, %eq3A_223 : vector<2x256x128xi32>
    %select_n3A_225 = arith.select %eq3A_224, %roll3A_213, %roll3A_215 : vector<2x256x128xi1>, vector<2x256x128xi32>
    %xor3A_226 = arith.xori %and3A_221, %and3A_148 : vector<2x256x128xi32>
    %eq3A_227 = arith.constant 0 : i32
    %eq3A_228 = vector.broadcast %eq3A_227 : i32 to vector<2x256x128xi32>
    %eq3A_229 = arith.cmpi eq, %xor3A_226, %eq3A_228 : vector<2x256x128xi32>
    %min3A_230 = arith.minsi %select_n3A_211, %select_n3A_225 : vector<2x256x128xi32>
    %max3A_231 = arith.maxsi %select_n3A_211, %select_n3A_225 : vector<2x256x128xi32>
    %select_n3A_232 = arith.select %eq3A_229, %min3A_230, %max3A_231 : vector<2x256x128xi1>, vector<2x256x128xi32>
    %shift_right_arithmetic3A_233 = arith.constant 5 : i32
    %shift_right_arithmetic3A_234 = vector.broadcast %shift_right_arithmetic3A_233 : i32 to vector<2x256x128xi32>
    %shift_right_arithmetic3A_235 = arith.shrsi %iota3A_6, %shift_right_arithmetic3A_234 : vector<2x256x128xi32>
    %and3A_236 = arith.constant 1 : i32
    %and3A_237 = vector.broadcast %and3A_236 : i32 to vector<2x256x128xi32>
    %and3A_238 = arith.andi %shift_right_arithmetic3A_235, %and3A_237 : vector<2x256x128xi32>
    %roll3A_239 = arith.constant 112 : i32
    %roll3A_240 = tpu.dynamic_rotate %select_n3A_232 by %roll3A_239 dim 2 : vector<2x256x128xi32>, i32 -> vector<2x256x128xi32>
    %roll3A_241 = arith.constant 16 : i32
    %roll3A_242 = tpu.dynamic_rotate %select_n3A_232 by %roll3A_241 dim 2 : vector<2x256x128xi32>, i32 -> vector<2x256x128xi32>
    %shift_right_arithmetic3A_243 = arith.constant 4 : i32
    %shift_right_arithmetic3A_244 = vector.broadcast %shift_right_arithmetic3A_243 : i32 to vector<2x256x128xi32>
    %shift_right_arithmetic3A_245 = arith.shrsi %iota3A_6, %shift_right_arithmetic3A_244 : vector<2x256x128xi32>
    %and3A_246 = arith.constant 1 : i32
    %and3A_247 = vector.broadcast %and3A_246 : i32 to vector<2x256x128xi32>
    %and3A_248 = arith.andi %shift_right_arithmetic3A_245, %and3A_247 : vector<2x256x128xi32>
    %eq3A_249 = arith.constant 0 : i32
    %eq3A_250 = vector.broadcast %eq3A_249 : i32 to vector<2x256x128xi32>
    %eq3A_251 = arith.cmpi eq, %and3A_248, %eq3A_250 : vector<2x256x128xi32>
    %select_n3A_252 = arith.select %eq3A_251, %roll3A_240, %roll3A_242 : vector<2x256x128xi1>, vector<2x256x128xi32>
    %xor3A_253 = arith.xori %and3A_248, %and3A_238 : vector<2x256x128xi32>
    %eq3A_254 = arith.constant 0 : i32
    %eq3A_255 = vector.broadcast %eq3A_254 : i32 to vector<2x256x128xi32>
    %eq3A_256 = arith.cmpi eq, %xor3A_253, %eq3A_255 : vector<2x256x128xi32>
    %min3A_257 = arith.minsi %select_n3A_232, %select_n3A_252 : vector<2x256x128xi32>
    %max3A_258 = arith.maxsi %select_n3A_232, %select_n3A_252 : vector<2x256x128xi32>
    %select_n3A_259 = arith.select %eq3A_256, %min3A_257, %max3A_258 : vector<2x256x128xi1>, vector<2x256x128xi32>
    %roll3A_260 = arith.constant 120 : i32
    %roll3A_261 = tpu.dynamic_rotate %select_n3A_259 by %roll3A_260 dim 2 : vector<2x256x128xi32>, i32 -> vector<2x256x128xi32>
    %roll3A_262 = arith.constant 8 : i32
    %roll3A_263 = tpu.dynamic_rotate %select_n3A_259 by %roll3A_262 dim 2 : vector<2x256x128xi32>, i32 -> vector<2x256x128xi32>
    %shift_right_arithmetic3A_264 = arith.constant 3 : i32
    %shift_right_arithmetic3A_265 = vector.broadcast %shift_right_arithmetic3A_264 : i32 to vector<2x256x128xi32>
    %shift_right_arithmetic3A_266 = arith.shrsi %iota3A_6, %shift_right_arithmetic3A_265 : vector<2x256x128xi32>
    %and3A_267 = arith.constant 1 : i32
    %and3A_268 = vector.broadcast %and3A_267 : i32 to vector<2x256x128xi32>
    %and3A_269 = arith.andi %shift_right_arithmetic3A_266, %and3A_268 : vector<2x256x128xi32>
    %eq3A_270 = arith.constant 0 : i32
    %eq3A_271 = vector.broadcast %eq3A_270 : i32 to vector<2x256x128xi32>
    %eq3A_272 = arith.cmpi eq, %and3A_269, %eq3A_271 : vector<2x256x128xi32>
    %select_n3A_273 = arith.select %eq3A_272, %roll3A_261, %roll3A_263 : vector<2x256x128xi1>, vector<2x256x128xi32>
    %xor3A_274 = arith.xori %and3A_269, %and3A_238 : vector<2x256x128xi32>
    %eq3A_275 = arith.constant 0 : i32
    %eq3A_276 = vector.broadcast %eq3A_275 : i32 to vector<2x256x128xi32>
    %eq3A_277 = arith.cmpi eq, %xor3A_274, %eq3A_276 : vector<2x256x128xi32>
    %min3A_278 = arith.minsi %select_n3A_259, %select_n3A_273 : vector<2x256x128xi32>
    %max3A_279 = arith.maxsi %select_n3A_259, %select_n3A_273 : vector<2x256x128xi32>
    %select_n3A_280 = arith.select %eq3A_277, %min3A_278, %max3A_279 : vector<2x256x128xi1>, vector<2x256x128xi32>
    %roll3A_281 = arith.constant 124 : i32
    %roll3A_282 = tpu.dynamic_rotate %select_n3A_280 by %roll3A_281 dim 2 : vector<2x256x128xi32>, i32 -> vector<2x256x128xi32>
    %roll3A_283 = arith.constant 4 : i32
    %roll3A_284 = tpu.dynamic_rotate %select_n3A_280 by %roll3A_283 dim 2 : vector<2x256x128xi32>, i32 -> vector<2x256x128xi32>
    %shift_right_arithmetic3A_285 = arith.constant 2 : i32
    %shift_right_arithmetic3A_286 = vector.broadcast %shift_right_arithmetic3A_285 : i32 to vector<2x256x128xi32>
    %shift_right_arithmetic3A_287 = arith.shrsi %iota3A_6, %shift_right_arithmetic3A_286 : vector<2x256x128xi32>
    %and3A_288 = arith.constant 1 : i32
    %and3A_289 = vector.broadcast %and3A_288 : i32 to vector<2x256x128xi32>
    %and3A_290 = arith.andi %shift_right_arithmetic3A_287, %and3A_289 : vector<2x256x128xi32>
    %eq3A_291 = arith.constant 0 : i32
    %eq3A_292 = vector.broadcast %eq3A_291 : i32 to vector<2x256x128xi32>
    %eq3A_293 = arith.cmpi eq, %and3A_290, %eq3A_292 : vector<2x256x128xi32>
    %select_n3A_294 = arith.select %eq3A_293, %roll3A_282, %roll3A_284 : vector<2x256x128xi1>, vector<2x256x128xi32>
    %xor3A_295 = arith.xori %and3A_290, %and3A_238 : vector<2x256x128xi32>
    %eq3A_296 = arith.constant 0 : i32
    %eq3A_297 = vector.broadcast %eq3A_296 : i32 to vector<2x256x128xi32>
    %eq3A_298 = arith.cmpi eq, %xor3A_295, %eq3A_297 : vector<2x256x128xi32>
    %min3A_299 = arith.minsi %select_n3A_280, %select_n3A_294 : vector<2x256x128xi32>
    %max3A_300 = arith.maxsi %select_n3A_280, %select_n3A_294 : vector<2x256x128xi32>
    %select_n3A_301 = arith.select %eq3A_298, %min3A_299, %max3A_300 : vector<2x256x128xi1>, vector<2x256x128xi32>
    %roll3A_302 = arith.constant 126 : i32
    %roll3A_303 = tpu.dynamic_rotate %select_n3A_301 by %roll3A_302 dim 2 : vector<2x256x128xi32>, i32 -> vector<2x256x128xi32>
    %roll3A_304 = arith.constant 2 : i32
    %roll3A_305 = tpu.dynamic_rotate %select_n3A_301 by %roll3A_304 dim 2 : vector<2x256x128xi32>, i32 -> vector<2x256x128xi32>
    %shift_right_arithmetic3A_306 = arith.constant 1 : i32
    %shift_right_arithmetic3A_307 = vector.broadcast %shift_right_arithmetic3A_306 : i32 to vector<2x256x128xi32>
    %shift_right_arithmetic3A_308 = arith.shrsi %iota3A_6, %shift_right_arithmetic3A_307 : vector<2x256x128xi32>
    %and3A_309 = arith.constant 1 : i32
    %and3A_310 = vector.broadcast %and3A_309 : i32 to vector<2x256x128xi32>
    %and3A_311 = arith.andi %shift_right_arithmetic3A_308, %and3A_310 : vector<2x256x128xi32>
    %eq3A_312 = arith.constant 0 : i32
    %eq3A_313 = vector.broadcast %eq3A_312 : i32 to vector<2x256x128xi32>
    %eq3A_314 = arith.cmpi eq, %and3A_311, %eq3A_313 : vector<2x256x128xi32>
    %select_n3A_315 = arith.select %eq3A_314, %roll3A_303, %roll3A_305 : vector<2x256x128xi1>, vector<2x256x128xi32>
    %xor3A_316 = arith.xori %and3A_311, %and3A_238 : vector<2x256x128xi32>
    %eq3A_317 = arith.constant 0 : i32
    %eq3A_318 = vector.broadcast %eq3A_317 : i32 to vector<2x256x128xi32>
    %eq3A_319 = arith.cmpi eq, %xor3A_316, %eq3A_318 : vector<2x256x128xi32>
    %min3A_320 = arith.minsi %select_n3A_301, %select_n3A_315 : vector<2x256x128xi32>
    %max3A_321 = arith.maxsi %select_n3A_301, %select_n3A_315 : vector<2x256x128xi32>
    %select_n3A_322 = arith.select %eq3A_319, %min3A_320, %max3A_321 : vector<2x256x128xi1>, vector<2x256x128xi32>
    %roll3A_323 = arith.constant 127 : i32
    %roll3A_324 = tpu.dynamic_rotate %select_n3A_322 by %roll3A_323 dim 2 : vector<2x256x128xi32>, i32 -> vector<2x256x128xi32>
    %roll3A_325 = arith.constant 1 : i32
    %roll3A_326 = tpu.dynamic_rotate %select_n3A_322 by %roll3A_325 dim 2 : vector<2x256x128xi32>, i32 -> vector<2x256x128xi32>
    %shift_right_arithmetic3A_327 = arith.constant 0 : i32
    %shift_right_arithmetic3A_328 = vector.broadcast %shift_right_arithmetic3A_327 : i32 to vector<2x256x128xi32>
    %shift_right_arithmetic3A_329 = arith.shrsi %iota3A_6, %shift_right_arithmetic3A_328 : vector<2x256x128xi32>
    %and3A_330 = arith.constant 1 : i32
    %and3A_331 = vector.broadcast %and3A_330 : i32 to vector<2x256x128xi32>
    %and3A_332 = arith.andi %shift_right_arithmetic3A_329, %and3A_331 : vector<2x256x128xi32>
    %eq3A_333 = arith.constant 0 : i32
    %eq3A_334 = vector.broadcast %eq3A_333 : i32 to vector<2x256x128xi32>
    %eq3A_335 = arith.cmpi eq, %and3A_332, %eq3A_334 : vector<2x256x128xi32>
    %select_n3A_336 = arith.select %eq3A_335, %roll3A_324, %roll3A_326 : vector<2x256x128xi1>, vector<2x256x128xi32>
    %xor3A_337 = arith.xori %and3A_332, %and3A_238 : vector<2x256x128xi32>
    %eq3A_338 = arith.constant 0 : i32
    %eq3A_339 = vector.broadcast %eq3A_338 : i32 to vector<2x256x128xi32>
    %eq3A_340 = arith.cmpi eq, %xor3A_337, %eq3A_339 : vector<2x256x128xi32>
    %min3A_341 = arith.minsi %select_n3A_322, %select_n3A_336 : vector<2x256x128xi32>
    %max3A_342 = arith.maxsi %select_n3A_322, %select_n3A_336 : vector<2x256x128xi32>
    %select_n3A_343 = arith.select %eq3A_340, %min3A_341, %max3A_342 : vector<2x256x128xi1>, vector<2x256x128xi32>
    %shift_right_arithmetic3A_344 = arith.constant 6 : i32
    %shift_right_arithmetic3A_345 = vector.broadcast %shift_right_arithmetic3A_344 : i32 to vector<2x256x128xi32>
    %shift_right_arithmetic3A_346 = arith.shrsi %iota3A_6, %shift_right_arithmetic3A_345 : vector<2x256x128xi32>
    %and3A_347 = arith.constant 1 : i32
    %and3A_348 = vector.broadcast %and3A_347 : i32 to vector<2x256x128xi32>
    %and3A_349 = arith.andi %shift_right_arithmetic3A_346, %and3A_348 : vector<2x256x128xi32>
    %roll3A_350 = arith.constant 96 : i32
    %roll3A_351 = tpu.dynamic_rotate %select_n3A_343 by %roll3A_350 dim 2 : vector<2x256x128xi32>, i32 -> vector<2x256x128xi32>
    %roll3A_352 = arith.constant 32 : i32
    %roll3A_353 = tpu.dynamic_rotate %select_n3A_343 by %roll3A_352 dim 2 : vector<2x256x128xi32>, i32 -> vector<2x256x128xi32>
    %shift_right_arithmetic3A_354 = arith.constant 5 : i32
    %shift_right_arithmetic3A_355 = vector.broadcast %shift_right_arithmetic3A_354 : i32 to vector<2x256x128xi32>
    %shift_right_arithmetic3A_356 = arith.shrsi %iota3A_6, %shift_right_arithmetic3A_355 : vector<2x256x128xi32>
    %and3A_357 = arith.constant 1 : i32
    %and3A_358 = vector.broadcast %and3A_357 : i32 to vector<2x256x128xi32>
    %and3A_359 = arith.andi %shift_right_arithmetic3A_356, %and3A_358 : vector<2x256x128xi32>
    %eq3A_360 = arith.constant 0 : i32
    %eq3A_361 = vector.broadcast %eq3A_360 : i32 to vector<2x256x128xi32>
    %eq3A_362 = arith.cmpi eq, %and3A_359, %eq3A_361 : vector<2x256x128xi32>
    %select_n3A_363 = arith.select %eq3A_362, %roll3A_351, %roll3A_353 : vector<2x256x128xi1>, vector<2x256x128xi32>
    %xor3A_364 = arith.xori %and3A_359, %and3A_349 : vector<2x256x128xi32>
    %eq3A_365 = arith.constant 0 : i32
    %eq3A_366 = vector.broadcast %eq3A_365 : i32 to vector<2x256x128xi32>
    %eq3A_367 = arith.cmpi eq, %xor3A_364, %eq3A_366 : vector<2x256x128xi32>
    %min3A_368 = arith.minsi %select_n3A_343, %select_n3A_363 : vector<2x256x128xi32>
    %max3A_369 = arith.maxsi %select_n3A_343, %select_n3A_363 : vector<2x256x128xi32>
    %select_n3A_370 = arith.select %eq3A_367, %min3A_368, %max3A_369 : vector<2x256x128xi1>, vector<2x256x128xi32>
    %roll3A_371 = arith.constant 112 : i32
    %roll3A_372 = tpu.dynamic_rotate %select_n3A_370 by %roll3A_371 dim 2 : vector<2x256x128xi32>, i32 -> vector<2x256x128xi32>
    %roll3A_373 = arith.constant 16 : i32
    %roll3A_374 = tpu.dynamic_rotate %select_n3A_370 by %roll3A_373 dim 2 : vector<2x256x128xi32>, i32 -> vector<2x256x128xi32>
    %shift_right_arithmetic3A_375 = arith.constant 4 : i32
    %shift_right_arithmetic3A_376 = vector.broadcast %shift_right_arithmetic3A_375 : i32 to vector<2x256x128xi32>
    %shift_right_arithmetic3A_377 = arith.shrsi %iota3A_6, %shift_right_arithmetic3A_376 : vector<2x256x128xi32>
    %and3A_378 = arith.constant 1 : i32
    %and3A_379 = vector.broadcast %and3A_378 : i32 to vector<2x256x128xi32>
    %and3A_380 = arith.andi %shift_right_arithmetic3A_377, %and3A_379 : vector<2x256x128xi32>
    %eq3A_381 = arith.constant 0 : i32
    %eq3A_382 = vector.broadcast %eq3A_381 : i32 to vector<2x256x128xi32>
    %eq3A_383 = arith.cmpi eq, %and3A_380, %eq3A_382 : vector<2x256x128xi32>
    %select_n3A_384 = arith.select %eq3A_383, %roll3A_372, %roll3A_374 : vector<2x256x128xi1>, vector<2x256x128xi32>
    %xor3A_385 = arith.xori %and3A_380, %and3A_349 : vector<2x256x128xi32>
    %eq3A_386 = arith.constant 0 : i32
    %eq3A_387 = vector.broadcast %eq3A_386 : i32 to vector<2x256x128xi32>
    %eq3A_388 = arith.cmpi eq, %xor3A_385, %eq3A_387 : vector<2x256x128xi32>
    %min3A_389 = arith.minsi %select_n3A_370, %select_n3A_384 : vector<2x256x128xi32>
    %max3A_390 = arith.maxsi %select_n3A_370, %select_n3A_384 : vector<2x256x128xi32>
    %select_n3A_391 = arith.select %eq3A_388, %min3A_389, %max3A_390 : vector<2x256x128xi1>, vector<2x256x128xi32>
    %roll3A_392 = arith.constant 120 : i32
    %roll3A_393 = tpu.dynamic_rotate %select_n3A_391 by %roll3A_392 dim 2 : vector<2x256x128xi32>, i32 -> vector<2x256x128xi32>
    %roll3A_394 = arith.constant 8 : i32
    %roll3A_395 = tpu.dynamic_rotate %select_n3A_391 by %roll3A_394 dim 2 : vector<2x256x128xi32>, i32 -> vector<2x256x128xi32>
    %shift_right_arithmetic3A_396 = arith.constant 3 : i32
    %shift_right_arithmetic3A_397 = vector.broadcast %shift_right_arithmetic3A_396 : i32 to vector<2x256x128xi32>
    %shift_right_arithmetic3A_398 = arith.shrsi %iota3A_6, %shift_right_arithmetic3A_397 : vector<2x256x128xi32>
    %and3A_399 = arith.constant 1 : i32
    %and3A_400 = vector.broadcast %and3A_399 : i32 to vector<2x256x128xi32>
    %and3A_401 = arith.andi %shift_right_arithmetic3A_398, %and3A_400 : vector<2x256x128xi32>
    %eq3A_402 = arith.constant 0 : i32
    %eq3A_403 = vector.broadcast %eq3A_402 : i32 to vector<2x256x128xi32>
    %eq3A_404 = arith.cmpi eq, %and3A_401, %eq3A_403 : vector<2x256x128xi32>
    %select_n3A_405 = arith.select %eq3A_404, %roll3A_393, %roll3A_395 : vector<2x256x128xi1>, vector<2x256x128xi32>
    %xor3A_406 = arith.xori %and3A_401, %and3A_349 : vector<2x256x128xi32>
    %eq3A_407 = arith.constant 0 : i32
    %eq3A_408 = vector.broadcast %eq3A_407 : i32 to vector<2x256x128xi32>
    %eq3A_409 = arith.cmpi eq, %xor3A_406, %eq3A_408 : vector<2x256x128xi32>
    %min3A_410 = arith.minsi %select_n3A_391, %select_n3A_405 : vector<2x256x128xi32>
    %max3A_411 = arith.maxsi %select_n3A_391, %select_n3A_405 : vector<2x256x128xi32>
    %select_n3A_412 = arith.select %eq3A_409, %min3A_410, %max3A_411 : vector<2x256x128xi1>, vector<2x256x128xi32>
    %roll3A_413 = arith.constant 124 : i32
    %roll3A_414 = tpu.dynamic_rotate %select_n3A_412 by %roll3A_413 dim 2 : vector<2x256x128xi32>, i32 -> vector<2x256x128xi32>
    %roll3A_415 = arith.constant 4 : i32
    %roll3A_416 = tpu.dynamic_rotate %select_n3A_412 by %roll3A_415 dim 2 : vector<2x256x128xi32>, i32 -> vector<2x256x128xi32>
    %shift_right_arithmetic3A_417 = arith.constant 2 : i32
    %shift_right_arithmetic3A_418 = vector.broadcast %shift_right_arithmetic3A_417 : i32 to vector<2x256x128xi32>
    %shift_right_arithmetic3A_419 = arith.shrsi %iota3A_6, %shift_right_arithmetic3A_418 : vector<2x256x128xi32>
    %and3A_420 = arith.constant 1 : i32
    %and3A_421 = vector.broadcast %and3A_420 : i32 to vector<2x256x128xi32>
    %and3A_422 = arith.andi %shift_right_arithmetic3A_419, %and3A_421 : vector<2x256x128xi32>
    %eq3A_423 = arith.constant 0 : i32
    %eq3A_424 = vector.broadcast %eq3A_423 : i32 to vector<2x256x128xi32>
    %eq3A_425 = arith.cmpi eq, %and3A_422, %eq3A_424 : vector<2x256x128xi32>
    %select_n3A_426 = arith.select %eq3A_425, %roll3A_414, %roll3A_416 : vector<2x256x128xi1>, vector<2x256x128xi32>
    %xor3A_427 = arith.xori %and3A_422, %and3A_349 : vector<2x256x128xi32>
    %eq3A_428 = arith.constant 0 : i32
    %eq3A_429 = vector.broadcast %eq3A_428 : i32 to vector<2x256x128xi32>
    %eq3A_430 = arith.cmpi eq, %xor3A_427, %eq3A_429 : vector<2x256x128xi32>
    %min3A_431 = arith.minsi %select_n3A_412, %select_n3A_426 : vector<2x256x128xi32>
    %max3A_432 = arith.maxsi %select_n3A_412, %select_n3A_426 : vector<2x256x128xi32>
    %select_n3A_433 = arith.select %eq3A_430, %min3A_431, %max3A_432 : vector<2x256x128xi1>, vector<2x256x128xi32>
    %roll3A_434 = arith.constant 126 : i32
    %roll3A_435 = tpu.dynamic_rotate %select_n3A_433 by %roll3A_434 dim 2 : vector<2x256x128xi32>, i32 -> vector<2x256x128xi32>
    %roll3A_436 = arith.constant 2 : i32
    %roll3A_437 = tpu.dynamic_rotate %select_n3A_433 by %roll3A_436 dim 2 : vector<2x256x128xi32>, i32 -> vector<2x256x128xi32>
    %shift_right_arithmetic3A_438 = arith.constant 1 : i32
    %shift_right_arithmetic3A_439 = vector.broadcast %shift_right_arithmetic3A_438 : i32 to vector<2x256x128xi32>
    %shift_right_arithmetic3A_440 = arith.shrsi %iota3A_6, %shift_right_arithmetic3A_439 : vector<2x256x128xi32>
    %and3A_441 = arith.constant 1 : i32
    %and3A_442 = vector.broadcast %and3A_441 : i32 to vector<2x256x128xi32>
    %and3A_443 = arith.andi %shift_right_arithmetic3A_440, %and3A_442 : vector<2x256x128xi32>
    %eq3A_444 = arith.constant 0 : i32
    %eq3A_445 = vector.broadcast %eq3A_444 : i32 to vector<2x256x128xi32>
    %eq3A_446 = arith.cmpi eq, %and3A_443, %eq3A_445 : vector<2x256x128xi32>
    %select_n3A_447 = arith.select %eq3A_446, %roll3A_435, %roll3A_437 : vector<2x256x128xi1>, vector<2x256x128xi32>
    %xor3A_448 = arith.xori %and3A_443, %and3A_349 : vector<2x256x128xi32>
    %eq3A_449 = arith.constant 0 : i32
    %eq3A_450 = vector.broadcast %eq3A_449 : i32 to vector<2x256x128xi32>
    %eq3A_451 = arith.cmpi eq, %xor3A_448, %eq3A_450 : vector<2x256x128xi32>
    %min3A_452 = arith.minsi %select_n3A_433, %select_n3A_447 : vector<2x256x128xi32>
    %max3A_453 = arith.maxsi %select_n3A_433, %select_n3A_447 : vector<2x256x128xi32>
    %select_n3A_454 = arith.select %eq3A_451, %min3A_452, %max3A_453 : vector<2x256x128xi1>, vector<2x256x128xi32>
    %roll3A_455 = arith.constant 127 : i32
    %roll3A_456 = tpu.dynamic_rotate %select_n3A_454 by %roll3A_455 dim 2 : vector<2x256x128xi32>, i32 -> vector<2x256x128xi32>
    %roll3A_457 = arith.constant 1 : i32
    %roll3A_458 = tpu.dynamic_rotate %select_n3A_454 by %roll3A_457 dim 2 : vector<2x256x128xi32>, i32 -> vector<2x256x128xi32>
    %shift_right_arithmetic3A_459 = arith.constant 0 : i32
    %shift_right_arithmetic3A_460 = vector.broadcast %shift_right_arithmetic3A_459 : i32 to vector<2x256x128xi32>
    %shift_right_arithmetic3A_461 = arith.shrsi %iota3A_6, %shift_right_arithmetic3A_460 : vector<2x256x128xi32>
    %and3A_462 = arith.constant 1 : i32
    %and3A_463 = vector.broadcast %and3A_462 : i32 to vector<2x256x128xi32>
    %and3A_464 = arith.andi %shift_right_arithmetic3A_461, %and3A_463 : vector<2x256x128xi32>
    %eq3A_465 = arith.constant 0 : i32
    %eq3A_466 = vector.broadcast %eq3A_465 : i32 to vector<2x256x128xi32>
    %eq3A_467 = arith.cmpi eq, %and3A_464, %eq3A_466 : vector<2x256x128xi32>
    %select_n3A_468 = arith.select %eq3A_467, %roll3A_456, %roll3A_458 : vector<2x256x128xi1>, vector<2x256x128xi32>
    %xor3A_469 = arith.xori %and3A_464, %and3A_349 : vector<2x256x128xi32>
    %eq3A_470 = arith.constant 0 : i32
    %eq3A_471 = vector.broadcast %eq3A_470 : i32 to vector<2x256x128xi32>
    %eq3A_472 = arith.cmpi eq, %xor3A_469, %eq3A_471 : vector<2x256x128xi32>
    %min3A_473 = arith.minsi %select_n3A_454, %select_n3A_468 : vector<2x256x128xi32>
    %max3A_474 = arith.maxsi %select_n3A_454, %select_n3A_468 : vector<2x256x128xi32>
    %select_n3A_475 = arith.select %eq3A_472, %min3A_473, %max3A_474 : vector<2x256x128xi1>, vector<2x256x128xi32>
    %shift_right_arithmetic3A_476 = arith.constant 7 : i32
    %shift_right_arithmetic3A_477 = vector.broadcast %shift_right_arithmetic3A_476 : i32 to vector<2x256x128xi32>
    %shift_right_arithmetic3A_478 = arith.shrsi %add3A, %shift_right_arithmetic3A_477 : vector<2x256x128xi32>
    %and3A_479 = arith.constant 1 : i32
    %and3A_480 = vector.broadcast %and3A_479 : i32 to vector<2x256x128xi32>
    %and3A_481 = arith.andi %shift_right_arithmetic3A_478, %and3A_480 : vector<2x256x128xi32>
    %roll3A_482 = arith.constant 64 : i32
    %roll3A_483 = tpu.dynamic_rotate %select_n3A_475 by %roll3A_482 dim 2 : vector<2x256x128xi32>, i32 -> vector<2x256x128xi32>
    %roll3A_484 = arith.constant 64 : i32
    %roll3A_485 = tpu.dynamic_rotate %select_n3A_475 by %roll3A_484 dim 2 : vector<2x256x128xi32>, i32 -> vector<2x256x128xi32>
    %shift_right_arithmetic3A_486 = arith.constant 6 : i32
    %shift_right_arithmetic3A_487 = vector.broadcast %shift_right_arithmetic3A_486 : i32 to vector<2x256x128xi32>
    %shift_right_arithmetic3A_488 = arith.shrsi %iota3A_6, %shift_right_arithmetic3A_487 : vector<2x256x128xi32>
    %and3A_489 = arith.constant 1 : i32
    %and3A_490 = vector.broadcast %and3A_489 : i32 to vector<2x256x128xi32>
    %and3A_491 = arith.andi %shift_right_arithmetic3A_488, %and3A_490 : vector<2x256x128xi32>
    %eq3A_492 = arith.constant 0 : i32
    %eq3A_493 = vector.broadcast %eq3A_492 : i32 to vector<2x256x128xi32>
    %eq3A_494 = arith.cmpi eq, %and3A_491, %eq3A_493 : vector<2x256x128xi32>
    %select_n3A_495 = arith.select %eq3A_494, %roll3A_483, %roll3A_485 : vector<2x256x128xi1>, vector<2x256x128xi32>
    %xor3A_496 = arith.xori %and3A_491, %and3A_481 : vector<2x256x128xi32>
    %eq3A_497 = arith.constant 0 : i32
    %eq3A_498 = vector.broadcast %eq3A_497 : i32 to vector<2x256x128xi32>
    %eq3A_499 = arith.cmpi eq, %xor3A_496, %eq3A_498 : vector<2x256x128xi32>
    %min3A_500 = arith.minsi %select_n3A_475, %select_n3A_495 : vector<2x256x128xi32>
    %max3A_501 = arith.maxsi %select_n3A_475, %select_n3A_495 : vector<2x256x128xi32>
    %select_n3A_502 = arith.select %eq3A_499, %min3A_500, %max3A_501 : vector<2x256x128xi1>, vector<2x256x128xi32>
    %roll3A_503 = arith.constant 96 : i32
    %roll3A_504 = tpu.dynamic_rotate %select_n3A_502 by %roll3A_503 dim 2 : vector<2x256x128xi32>, i32 -> vector<2x256x128xi32>
    %roll3A_505 = arith.constant 32 : i32
    %roll3A_506 = tpu.dynamic_rotate %select_n3A_502 by %roll3A_505 dim 2 : vector<2x256x128xi32>, i32 -> vector<2x256x128xi32>
    %shift_right_arithmetic3A_507 = arith.constant 5 : i32
    %shift_right_arithmetic3A_508 = vector.broadcast %shift_right_arithmetic3A_507 : i32 to vector<2x256x128xi32>
    %shift_right_arithmetic3A_509 = arith.shrsi %iota3A_6, %shift_right_arithmetic3A_508 : vector<2x256x128xi32>
    %and3A_510 = arith.constant 1 : i32
    %and3A_511 = vector.broadcast %and3A_510 : i32 to vector<2x256x128xi32>
    %and3A_512 = arith.andi %shift_right_arithmetic3A_509, %and3A_511 : vector<2x256x128xi32>
    %eq3A_513 = arith.constant 0 : i32
    %eq3A_514 = vector.broadcast %eq3A_513 : i32 to vector<2x256x128xi32>
    %eq3A_515 = arith.cmpi eq, %and3A_512, %eq3A_514 : vector<2x256x128xi32>
    %select_n3A_516 = arith.select %eq3A_515, %roll3A_504, %roll3A_506 : vector<2x256x128xi1>, vector<2x256x128xi32>
    %xor3A_517 = arith.xori %and3A_512, %and3A_481 : vector<2x256x128xi32>
    %eq3A_518 = arith.constant 0 : i32
    %eq3A_519 = vector.broadcast %eq3A_518 : i32 to vector<2x256x128xi32>
    %eq3A_520 = arith.cmpi eq, %xor3A_517, %eq3A_519 : vector<2x256x128xi32>
    %min3A_521 = arith.minsi %select_n3A_502, %select_n3A_516 : vector<2x256x128xi32>
    %max3A_522 = arith.maxsi %select_n3A_502, %select_n3A_516 : vector<2x256x128xi32>
    %select_n3A_523 = arith.select %eq3A_520, %min3A_521, %max3A_522 : vector<2x256x128xi1>, vector<2x256x128xi32>
    %roll3A_524 = arith.constant 112 : i32
    %roll3A_525 = tpu.dynamic_rotate %select_n3A_523 by %roll3A_524 dim 2 : vector<2x256x128xi32>, i32 -> vector<2x256x128xi32>
    %roll3A_526 = arith.constant 16 : i32
    %roll3A_527 = tpu.dynamic_rotate %select_n3A_523 by %roll3A_526 dim 2 : vector<2x256x128xi32>, i32 -> vector<2x256x128xi32>
    %shift_right_arithmetic3A_528 = arith.constant 4 : i32
    %shift_right_arithmetic3A_529 = vector.broadcast %shift_right_arithmetic3A_528 : i32 to vector<2x256x128xi32>
    %shift_right_arithmetic3A_530 = arith.shrsi %iota3A_6, %shift_right_arithmetic3A_529 : vector<2x256x128xi32>
    %and3A_531 = arith.constant 1 : i32
    %and3A_532 = vector.broadcast %and3A_531 : i32 to vector<2x256x128xi32>
    %and3A_533 = arith.andi %shift_right_arithmetic3A_530, %and3A_532 : vector<2x256x128xi32>
    %eq3A_534 = arith.constant 0 : i32
    %eq3A_535 = vector.broadcast %eq3A_534 : i32 to vector<2x256x128xi32>
    %eq3A_536 = arith.cmpi eq, %and3A_533, %eq3A_535 : vector<2x256x128xi32>
    %select_n3A_537 = arith.select %eq3A_536, %roll3A_525, %roll3A_527 : vector<2x256x128xi1>, vector<2x256x128xi32>
    %xor3A_538 = arith.xori %and3A_533, %and3A_481 : vector<2x256x128xi32>
    %eq3A_539 = arith.constant 0 : i32
    %eq3A_540 = vector.broadcast %eq3A_539 : i32 to vector<2x256x128xi32>
    %eq3A_541 = arith.cmpi eq, %xor3A_538, %eq3A_540 : vector<2x256x128xi32>
    %min3A_542 = arith.minsi %select_n3A_523, %select_n3A_537 : vector<2x256x128xi32>
    %max3A_543 = arith.maxsi %select_n3A_523, %select_n3A_537 : vector<2x256x128xi32>
    %select_n3A_544 = arith.select %eq3A_541, %min3A_542, %max3A_543 : vector<2x256x128xi1>, vector<2x256x128xi32>
    %roll3A_545 = arith.constant 120 : i32
    %roll3A_546 = tpu.dynamic_rotate %select_n3A_544 by %roll3A_545 dim 2 : vector<2x256x128xi32>, i32 -> vector<2x256x128xi32>
    %roll3A_547 = arith.constant 8 : i32
    %roll3A_548 = tpu.dynamic_rotate %select_n3A_544 by %roll3A_547 dim 2 : vector<2x256x128xi32>, i32 -> vector<2x256x128xi32>
    %shift_right_arithmetic3A_549 = arith.constant 3 : i32
    %shift_right_arithmetic3A_550 = vector.broadcast %shift_right_arithmetic3A_549 : i32 to vector<2x256x128xi32>
    %shift_right_arithmetic3A_551 = arith.shrsi %iota3A_6, %shift_right_arithmetic3A_550 : vector<2x256x128xi32>
    %and3A_552 = arith.constant 1 : i32
    %and3A_553 = vector.broadcast %and3A_552 : i32 to vector<2x256x128xi32>
    %and3A_554 = arith.andi %shift_right_arithmetic3A_551, %and3A_553 : vector<2x256x128xi32>
    %eq3A_555 = arith.constant 0 : i32
    %eq3A_556 = vector.broadcast %eq3A_555 : i32 to vector<2x256x128xi32>
    %eq3A_557 = arith.cmpi eq, %and3A_554, %eq3A_556 : vector<2x256x128xi32>
    %select_n3A_558 = arith.select %eq3A_557, %roll3A_546, %roll3A_548 : vector<2x256x128xi1>, vector<2x256x128xi32>
    %xor3A_559 = arith.xori %and3A_554, %and3A_481 : vector<2x256x128xi32>
    %eq3A_560 = arith.constant 0 : i32
    %eq3A_561 = vector.broadcast %eq3A_560 : i32 to vector<2x256x128xi32>
    %eq3A_562 = arith.cmpi eq, %xor3A_559, %eq3A_561 : vector<2x256x128xi32>
    %min3A_563 = arith.minsi %select_n3A_544, %select_n3A_558 : vector<2x256x128xi32>
    %max3A_564 = arith.maxsi %select_n3A_544, %select_n3A_558 : vector<2x256x128xi32>
    %select_n3A_565 = arith.select %eq3A_562, %min3A_563, %max3A_564 : vector<2x256x128xi1>, vector<2x256x128xi32>
    %roll3A_566 = arith.constant 124 : i32
    %roll3A_567 = tpu.dynamic_rotate %select_n3A_565 by %roll3A_566 dim 2 : vector<2x256x128xi32>, i32 -> vector<2x256x128xi32>
    %roll3A_568 = arith.constant 4 : i32
    %roll3A_569 = tpu.dynamic_rotate %select_n3A_565 by %roll3A_568 dim 2 : vector<2x256x128xi32>, i32 -> vector<2x256x128xi32>
    %shift_right_arithmetic3A_570 = arith.constant 2 : i32
    %shift_right_arithmetic3A_571 = vector.broadcast %shift_right_arithmetic3A_570 : i32 to vector<2x256x128xi32>
    %shift_right_arithmetic3A_572 = arith.shrsi %iota3A_6, %shift_right_arithmetic3A_571 : vector<2x256x128xi32>
    %and3A_573 = arith.constant 1 : i32
    %and3A_574 = vector.broadcast %and3A_573 : i32 to vector<2x256x128xi32>
    %and3A_575 = arith.andi %shift_right_arithmetic3A_572, %and3A_574 : vector<2x256x128xi32>
    %eq3A_576 = arith.constant 0 : i32
    %eq3A_577 = vector.broadcast %eq3A_576 : i32 to vector<2x256x128xi32>
    %eq3A_578 = arith.cmpi eq, %and3A_575, %eq3A_577 : vector<2x256x128xi32>
    %select_n3A_579 = arith.select %eq3A_578, %roll3A_567, %roll3A_569 : vector<2x256x128xi1>, vector<2x256x128xi32>
    %xor3A_580 = arith.xori %and3A_575, %and3A_481 : vector<2x256x128xi32>
    %eq3A_581 = arith.constant 0 : i32
    %eq3A_582 = vector.broadcast %eq3A_581 : i32 to vector<2x256x128xi32>
    %eq3A_583 = arith.cmpi eq, %xor3A_580, %eq3A_582 : vector<2x256x128xi32>
    %min3A_584 = arith.minsi %select_n3A_565, %select_n3A_579 : vector<2x256x128xi32>
    %max3A_585 = arith.maxsi %select_n3A_565, %select_n3A_579 : vector<2x256x128xi32>
    %select_n3A_586 = arith.select %eq3A_583, %min3A_584, %max3A_585 : vector<2x256x128xi1>, vector<2x256x128xi32>
    %roll3A_587 = arith.constant 126 : i32
    %roll3A_588 = tpu.dynamic_rotate %select_n3A_586 by %roll3A_587 dim 2 : vector<2x256x128xi32>, i32 -> vector<2x256x128xi32>
    %roll3A_589 = arith.constant 2 : i32
    %roll3A_590 = tpu.dynamic_rotate %select_n3A_586 by %roll3A_589 dim 2 : vector<2x256x128xi32>, i32 -> vector<2x256x128xi32>
    %shift_right_arithmetic3A_591 = arith.constant 1 : i32
    %shift_right_arithmetic3A_592 = vector.broadcast %shift_right_arithmetic3A_591 : i32 to vector<2x256x128xi32>
    %shift_right_arithmetic3A_593 = arith.shrsi %iota3A_6, %shift_right_arithmetic3A_592 : vector<2x256x128xi32>
    %and3A_594 = arith.constant 1 : i32
    %and3A_595 = vector.broadcast %and3A_594 : i32 to vector<2x256x128xi32>
    %and3A_596 = arith.andi %shift_right_arithmetic3A_593, %and3A_595 : vector<2x256x128xi32>
    %eq3A_597 = arith.constant 0 : i32
    %eq3A_598 = vector.broadcast %eq3A_597 : i32 to vector<2x256x128xi32>
    %eq3A_599 = arith.cmpi eq, %and3A_596, %eq3A_598 : vector<2x256x128xi32>
    %select_n3A_600 = arith.select %eq3A_599, %roll3A_588, %roll3A_590 : vector<2x256x128xi1>, vector<2x256x128xi32>
    %xor3A_601 = arith.xori %and3A_596, %and3A_481 : vector<2x256x128xi32>
    %eq3A_602 = arith.constant 0 : i32
    %eq3A_603 = vector.broadcast %eq3A_602 : i32 to vector<2x256x128xi32>
    %eq3A_604 = arith.cmpi eq, %xor3A_601, %eq3A_603 : vector<2x256x128xi32>
    %min3A_605 = arith.minsi %select_n3A_586, %select_n3A_600 : vector<2x256x128xi32>
    %max3A_606 = arith.maxsi %select_n3A_586, %select_n3A_600 : vector<2x256x128xi32>
    %select_n3A_607 = arith.select %eq3A_604, %min3A_605, %max3A_606 : vector<2x256x128xi1>, vector<2x256x128xi32>
    %roll3A_608 = arith.constant 127 : i32
    %roll3A_609 = tpu.dynamic_rotate %select_n3A_607 by %roll3A_608 dim 2 : vector<2x256x128xi32>, i32 -> vector<2x256x128xi32>
    %roll3A_610 = arith.constant 1 : i32
    %roll3A_611 = tpu.dynamic_rotate %select_n3A_607 by %roll3A_610 dim 2 : vector<2x256x128xi32>, i32 -> vector<2x256x128xi32>
    %shift_right_arithmetic3A_612 = arith.constant 0 : i32
    %shift_right_arithmetic3A_613 = vector.broadcast %shift_right_arithmetic3A_612 : i32 to vector<2x256x128xi32>
    %shift_right_arithmetic3A_614 = arith.shrsi %iota3A_6, %shift_right_arithmetic3A_613 : vector<2x256x128xi32>
    %and3A_615 = arith.constant 1 : i32
    %and3A_616 = vector.broadcast %and3A_615 : i32 to vector<2x256x128xi32>
    %and3A_617 = arith.andi %shift_right_arithmetic3A_614, %and3A_616 : vector<2x256x128xi32>
    %eq3A_618 = arith.constant 0 : i32
    %eq3A_619 = vector.broadcast %eq3A_618 : i32 to vector<2x256x128xi32>
    %eq3A_620 = arith.cmpi eq, %and3A_617, %eq3A_619 : vector<2x256x128xi32>
    %select_n3A_621 = arith.select %eq3A_620, %roll3A_609, %roll3A_611 : vector<2x256x128xi1>, vector<2x256x128xi32>
    %xor3A_622 = arith.xori %and3A_617, %and3A_481 : vector<2x256x128xi32>
    %eq3A_623 = arith.constant 0 : i32
    %eq3A_624 = vector.broadcast %eq3A_623 : i32 to vector<2x256x128xi32>
    %eq3A_625 = arith.cmpi eq, %xor3A_622, %eq3A_624 : vector<2x256x128xi32>
    %min3A_626 = arith.minsi %select_n3A_607, %select_n3A_621 : vector<2x256x128xi32>
    %max3A_627 = arith.maxsi %select_n3A_607, %select_n3A_621 : vector<2x256x128xi32>
    %select_n3A_628 = arith.select %eq3A_625, %min3A_626, %max3A_627 : vector<2x256x128xi1>, vector<2x256x128xi32>
    %while3A = arith.constant 8 : i32
    %while3A_629 = arith.constant 16 : i32
    %while3A_630 = arith.subi %while3A_629, %while3A : i32
    %while3A_631 = arith.addi %while3A, %while3A_630 : i32
    %while3A_632 = arith.constant 1 : i32
    %while3A_633 = arith.divsi %while3A_630, %while3A_632 : i32
    %while3A_634 = arith.muli %while3A_633, %while3A_632 : i32
    %while3A_635 = arith.addi %while3A, %while3A_634 : i32
    %while3A_636 = arith.constant 1 : i32
    %while3A_637 = scf.for %while3A_643 = %while3A to %while3A_635 step %while3A_636 iter_args(%while3A_644 = %select_n3A_628) -> (vector<2x256x128xi32>)  : i32 {
      %shift_right_arithmetic3A_645 = vector.broadcast %while3A_643 : i32 to vector<2x256x128xi32>
      %shift_right_arithmetic3A_646 = arith.shrsi %add3A, %shift_right_arithmetic3A_645 : vector<2x256x128xi32>
      %and3A_647 = arith.constant 1 : i32
      %and3A_648 = vector.broadcast %and3A_647 : i32 to vector<2x256x128xi32>
      %and3A_649 = arith.andi %shift_right_arithmetic3A_646, %and3A_648 : vector<2x256x128xi32>
      %sub3A = arith.constant 8 : i32
      %sub3A_650 = arith.subi %while3A_643, %sub3A : i32
      %while3A_651 = arith.constant 0 : i32
      %while3A_652 = arith.subi %sub3A_650, %while3A_651 : i32
      %while3A_653 = arith.addi %while3A_651, %while3A_652 : i32
      %while3A_654 = arith.constant 1 : i32
      %while3A_655 = arith.divsi %while3A_652, %while3A_654 : i32
      %while3A_656 = arith.muli %while3A_655, %while3A_654 : i32
      %while3A_657 = arith.addi %while3A_651, %while3A_656 : i32
      %while3A_658 = arith.constant 1 : i32
      %while3A_659 = scf.for %while3A_830 = %while3A_651 to %while3A_657 step %while3A_658 iter_args(%while3A_831 = %while3A_644) -> (vector<2x256x128xi32>)  : i32 {
        %sub3A_832 = arith.constant 1 : i32
        %sub3A_833 = arith.subi %while3A_643, %sub3A_832 : i32
        %sub3A_834 = arith.subi %sub3A_833, %while3A_830 : i32
        %sub3A_835 = arith.constant 7 : i32
        %sub3A_836 = arith.subi %sub3A_834, %sub3A_835 : i32
        %shift_left3A = arith.constant 1 : i32
        %shift_left3A_837 = arith.shli %shift_left3A, %sub3A_836 : i32
        %sub3A_838 = arith.constant 256 : i32
        %sub3A_839 = arith.subi %sub3A_838, %shift_left3A_837 : i32
        %roll3A_840 = tpu.dynamic_rotate %while3A_831 by %sub3A_839 dim 1 : vector<2x256x128xi32>, i32 -> vector<2x256x128xi32>
        %roll3A_841 = tpu.dynamic_rotate %while3A_831 by %shift_left3A_837 dim 1 : vector<2x256x128xi32>, i32 -> vector<2x256x128xi32>
        %shift_right_arithmetic3A_842 = vector.broadcast %sub3A_834 : i32 to vector<2x256x128xi32>
        %shift_right_arithmetic3A_843 = arith.shrsi %add3A, %shift_right_arithmetic3A_842 : vector<2x256x128xi32>
        %and3A_844 = arith.constant 1 : i32
        %and3A_845 = vector.broadcast %and3A_844 : i32 to vector<2x256x128xi32>
        %and3A_846 = arith.andi %shift_right_arithmetic3A_843, %and3A_845 : vector<2x256x128xi32>
        %eq3A_847 = arith.constant 0 : i32
        %eq3A_848 = vector.broadcast %eq3A_847 : i32 to vector<2x256x128xi32>
        %eq3A_849 = arith.cmpi eq, %and3A_846, %eq3A_848 : vector<2x256x128xi32>
        %select_n3A_850 = arith.select %eq3A_849, %roll3A_840, %roll3A_841 : vector<2x256x128xi1>, vector<2x256x128xi32>
        %xor3A_851 = arith.xori %and3A_846, %and3A_649 : vector<2x256x128xi32>
        %eq3A_852 = arith.constant 0 : i32
        %eq3A_853 = vector.broadcast %eq3A_852 : i32 to vector<2x256x128xi32>
        %eq3A_854 = arith.cmpi eq, %xor3A_851, %eq3A_853 : vector<2x256x128xi32>
        %min3A_855 = arith.minsi %while3A_831, %select_n3A_850 : vector<2x256x128xi32>
        %max3A_856 = arith.maxsi %while3A_831, %select_n3A_850 : vector<2x256x128xi32>
        %select_n3A_857 = arith.select %eq3A_854, %min3A_855, %max3A_856 : vector<2x256x128xi1>, vector<2x256x128xi32>
        scf.yield %select_n3A_857 : vector<2x256x128xi32>
      }
      %while3A_660 = arith.constant 1 : i32
      %while3A_661 = scf.for %while3A_830 = %while3A_657 to %while3A_653 step %while3A_660 iter_args(%while3A_831 = %while3A_659) -> (vector<2x256x128xi32>)  : i32 {
        %sub3A_832 = arith.constant 1 : i32
        %sub3A_833 = arith.subi %while3A_643, %sub3A_832 : i32
        %sub3A_834 = arith.subi %sub3A_833, %while3A_830 : i32
        %sub3A_835 = arith.constant 7 : i32
        %sub3A_836 = arith.subi %sub3A_834, %sub3A_835 : i32
        %shift_left3A = arith.constant 1 : i32
        %shift_left3A_837 = arith.shli %shift_left3A, %sub3A_836 : i32
        %sub3A_838 = arith.constant 256 : i32
        %sub3A_839 = arith.subi %sub3A_838, %shift_left3A_837 : i32
        %roll3A_840 = tpu.dynamic_rotate %while3A_831 by %sub3A_839 dim 1 : vector<2x256x128xi32>, i32 -> vector<2x256x128xi32>
        %roll3A_841 = tpu.dynamic_rotate %while3A_831 by %shift_left3A_837 dim 1 : vector<2x256x128xi32>, i32 -> vector<2x256x128xi32>
        %shift_right_arithmetic3A_842 = vector.broadcast %sub3A_834 : i32 to vector<2x256x128xi32>
        %shift_right_arithmetic3A_843 = arith.shrsi %add3A, %shift_right_arithmetic3A_842 : vector<2x256x128xi32>
        %and3A_844 = arith.constant 1 : i32
        %and3A_845 = vector.broadcast %and3A_844 : i32 to vector<2x256x128xi32>
        %and3A_846 = arith.andi %shift_right_arithmetic3A_843, %and3A_845 : vector<2x256x128xi32>
        %eq3A_847 = arith.constant 0 : i32
        %eq3A_848 = vector.broadcast %eq3A_847 : i32 to vector<2x256x128xi32>
        %eq3A_849 = arith.cmpi eq, %and3A_846, %eq3A_848 : vector<2x256x128xi32>
        %select_n3A_850 = arith.select %eq3A_849, %roll3A_840, %roll3A_841 : vector<2x256x128xi1>, vector<2x256x128xi32>
        %xor3A_851 = arith.xori %and3A_846, %and3A_649 : vector<2x256x128xi32>
        %eq3A_852 = arith.constant 0 : i32
        %eq3A_853 = vector.broadcast %eq3A_852 : i32 to vector<2x256x128xi32>
        %eq3A_854 = arith.cmpi eq, %xor3A_851, %eq3A_853 : vector<2x256x128xi32>
        %min3A_855 = arith.minsi %while3A_831, %select_n3A_850 : vector<2x256x128xi32>
        %max3A_856 = arith.maxsi %while3A_831, %select_n3A_850 : vector<2x256x128xi32>
        %select_n3A_857 = arith.select %eq3A_854, %min3A_855, %max3A_856 : vector<2x256x128xi1>, vector<2x256x128xi32>
        scf.yield %select_n3A_857 : vector<2x256x128xi32>
      }
      %roll3A_662 = arith.constant 255 : i32
      %roll3A_663 = tpu.dynamic_rotate %while3A_661 by %roll3A_662 dim 1 : vector<2x256x128xi32>, i32 -> vector<2x256x128xi32>
      %roll3A_664 = arith.constant 1 : i32
      %roll3A_665 = tpu.dynamic_rotate %while3A_661 by %roll3A_664 dim 1 : vector<2x256x128xi32>, i32 -> vector<2x256x128xi32>
      %shift_right_arithmetic3A_666 = arith.constant 7 : i32
      %shift_right_arithmetic3A_667 = vector.broadcast %shift_right_arithmetic3A_666 : i32 to vector<2x256x128xi32>
      %shift_right_arithmetic3A_668 = arith.shrsi %add3A, %shift_right_arithmetic3A_667 : vector<2x256x128xi32>
      %and3A_669 = arith.constant 1 : i32
      %and3A_670 = vector.broadcast %and3A_669 : i32 to vector<2x256x128xi32>
      %and3A_671 = arith.andi %shift_right_arithmetic3A_668, %and3A_670 : vector<2x256x128xi32>
      %eq3A_672 = arith.constant 0 : i32
      %eq3A_673 = vector.broadcast %eq3A_672 : i32 to vector<2x256x128xi32>
      %eq3A_674 = arith.cmpi eq, %and3A_671, %eq3A_673 : vector<2x256x128xi32>
      %select_n3A_675 = arith.select %eq3A_674, %roll3A_663, %roll3A_665 : vector<2x256x128xi1>, vector<2x256x128xi32>
      %xor3A_676 = arith.xori %and3A_671, %and3A_649 : vector<2x256x128xi32>
      %eq3A_677 = arith.constant 0 : i32
      %eq3A_678 = vector.broadcast %eq3A_677 : i32 to vector<2x256x128xi32>
      %eq3A_679 = arith.cmpi eq, %xor3A_676, %eq3A_678 : vector<2x256x128xi32>
      %min3A_680 = arith.minsi %while3A_661, %select_n3A_675 : vector<2x256x128xi32>
      %max3A_681 = arith.maxsi %while3A_661, %select_n3A_675 : vector<2x256x128xi32>
      %select_n3A_682 = arith.select %eq3A_679, %min3A_680, %max3A_681 : vector<2x256x128xi1>, vector<2x256x128xi32>
      %roll3A_683 = arith.constant 64 : i32
      %roll3A_684 = tpu.dynamic_rotate %select_n3A_682 by %roll3A_683 dim 2 : vector<2x256x128xi32>, i32 -> vector<2x256x128xi32>
      %roll3A_685 = arith.constant 64 : i32
      %roll3A_686 = tpu.dynamic_rotate %select_n3A_682 by %roll3A_685 dim 2 : vector<2x256x128xi32>, i32 -> vector<2x256x128xi32>
      %shift_right_arithmetic3A_687 = arith.constant 6 : i32
      %shift_right_arithmetic3A_688 = vector.broadcast %shift_right_arithmetic3A_687 : i32 to vector<2x256x128xi32>
      %shift_right_arithmetic3A_689 = arith.shrsi %iota3A_6, %shift_right_arithmetic3A_688 : vector<2x256x128xi32>
      %and3A_690 = arith.constant 1 : i32
      %and3A_691 = vector.broadcast %and3A_690 : i32 to vector<2x256x128xi32>
      %and3A_692 = arith.andi %shift_right_arithmetic3A_689, %and3A_691 : vector<2x256x128xi32>
      %eq3A_693 = arith.constant 0 : i32
      %eq3A_694 = vector.broadcast %eq3A_693 : i32 to vector<2x256x128xi32>
      %eq3A_695 = arith.cmpi eq, %and3A_692, %eq3A_694 : vector<2x256x128xi32>
      %select_n3A_696 = arith.select %eq3A_695, %roll3A_684, %roll3A_686 : vector<2x256x128xi1>, vector<2x256x128xi32>
      %xor3A_697 = arith.xori %and3A_692, %and3A_649 : vector<2x256x128xi32>
      %eq3A_698 = arith.constant 0 : i32
      %eq3A_699 = vector.broadcast %eq3A_698 : i32 to vector<2x256x128xi32>
      %eq3A_700 = arith.cmpi eq, %xor3A_697, %eq3A_699 : vector<2x256x128xi32>
      %min3A_701 = arith.minsi %select_n3A_682, %select_n3A_696 : vector<2x256x128xi32>
      %max3A_702 = arith.maxsi %select_n3A_682, %select_n3A_696 : vector<2x256x128xi32>
      %select_n3A_703 = arith.select %eq3A_700, %min3A_701, %max3A_702 : vector<2x256x128xi1>, vector<2x256x128xi32>
      %roll3A_704 = arith.constant 96 : i32
      %roll3A_705 = tpu.dynamic_rotate %select_n3A_703 by %roll3A_704 dim 2 : vector<2x256x128xi32>, i32 -> vector<2x256x128xi32>
      %roll3A_706 = arith.constant 32 : i32
      %roll3A_707 = tpu.dynamic_rotate %select_n3A_703 by %roll3A_706 dim 2 : vector<2x256x128xi32>, i32 -> vector<2x256x128xi32>
      %shift_right_arithmetic3A_708 = arith.constant 5 : i32
      %shift_right_arithmetic3A_709 = vector.broadcast %shift_right_arithmetic3A_708 : i32 to vector<2x256x128xi32>
      %shift_right_arithmetic3A_710 = arith.shrsi %iota3A_6, %shift_right_arithmetic3A_709 : vector<2x256x128xi32>
      %and3A_711 = arith.constant 1 : i32
      %and3A_712 = vector.broadcast %and3A_711 : i32 to vector<2x256x128xi32>
      %and3A_713 = arith.andi %shift_right_arithmetic3A_710, %and3A_712 : vector<2x256x128xi32>
      %eq3A_714 = arith.constant 0 : i32
      %eq3A_715 = vector.broadcast %eq3A_714 : i32 to vector<2x256x128xi32>
      %eq3A_716 = arith.cmpi eq, %and3A_713, %eq3A_715 : vector<2x256x128xi32>
      %select_n3A_717 = arith.select %eq3A_716, %roll3A_705, %roll3A_707 : vector<2x256x128xi1>, vector<2x256x128xi32>
      %xor3A_718 = arith.xori %and3A_713, %and3A_649 : vector<2x256x128xi32>
      %eq3A_719 = arith.constant 0 : i32
      %eq3A_720 = vector.broadcast %eq3A_719 : i32 to vector<2x256x128xi32>
      %eq3A_721 = arith.cmpi eq, %xor3A_718, %eq3A_720 : vector<2x256x128xi32>
      %min3A_722 = arith.minsi %select_n3A_703, %select_n3A_717 : vector<2x256x128xi32>
      %max3A_723 = arith.maxsi %select_n3A_703, %select_n3A_717 : vector<2x256x128xi32>
      %select_n3A_724 = arith.select %eq3A_721, %min3A_722, %max3A_723 : vector<2x256x128xi1>, vector<2x256x128xi32>
      %roll3A_725 = arith.constant 112 : i32
      %roll3A_726 = tpu.dynamic_rotate %select_n3A_724 by %roll3A_725 dim 2 : vector<2x256x128xi32>, i32 -> vector<2x256x128xi32>
      %roll3A_727 = arith.constant 16 : i32
      %roll3A_728 = tpu.dynamic_rotate %select_n3A_724 by %roll3A_727 dim 2 : vector<2x256x128xi32>, i32 -> vector<2x256x128xi32>
      %shift_right_arithmetic3A_729 = arith.constant 4 : i32
      %shift_right_arithmetic3A_730 = vector.broadcast %shift_right_arithmetic3A_729 : i32 to vector<2x256x128xi32>
      %shift_right_arithmetic3A_731 = arith.shrsi %iota3A_6, %shift_right_arithmetic3A_730 : vector<2x256x128xi32>
      %and3A_732 = arith.constant 1 : i32
      %and3A_733 = vector.broadcast %and3A_732 : i32 to vector<2x256x128xi32>
      %and3A_734 = arith.andi %shift_right_arithmetic3A_731, %and3A_733 : vector<2x256x128xi32>
      %eq3A_735 = arith.constant 0 : i32
      %eq3A_736 = vector.broadcast %eq3A_735 : i32 to vector<2x256x128xi32>
      %eq3A_737 = arith.cmpi eq, %and3A_734, %eq3A_736 : vector<2x256x128xi32>
      %select_n3A_738 = arith.select %eq3A_737, %roll3A_726, %roll3A_728 : vector<2x256x128xi1>, vector<2x256x128xi32>
      %xor3A_739 = arith.xori %and3A_734, %and3A_649 : vector<2x256x128xi32>
      %eq3A_740 = arith.constant 0 : i32
      %eq3A_741 = vector.broadcast %eq3A_740 : i32 to vector<2x256x128xi32>
      %eq3A_742 = arith.cmpi eq, %xor3A_739, %eq3A_741 : vector<2x256x128xi32>
      %min3A_743 = arith.minsi %select_n3A_724, %select_n3A_738 : vector<2x256x128xi32>
      %max3A_744 = arith.maxsi %select_n3A_724, %select_n3A_738 : vector<2x256x128xi32>
      %select_n3A_745 = arith.select %eq3A_742, %min3A_743, %max3A_744 : vector<2x256x128xi1>, vector<2x256x128xi32>
      %roll3A_746 = arith.constant 120 : i32
      %roll3A_747 = tpu.dynamic_rotate %select_n3A_745 by %roll3A_746 dim 2 : vector<2x256x128xi32>, i32 -> vector<2x256x128xi32>
      %roll3A_748 = arith.constant 8 : i32
      %roll3A_749 = tpu.dynamic_rotate %select_n3A_745 by %roll3A_748 dim 2 : vector<2x256x128xi32>, i32 -> vector<2x256x128xi32>
      %shift_right_arithmetic3A_750 = arith.constant 3 : i32
      %shift_right_arithmetic3A_751 = vector.broadcast %shift_right_arithmetic3A_750 : i32 to vector<2x256x128xi32>
      %shift_right_arithmetic3A_752 = arith.shrsi %iota3A_6, %shift_right_arithmetic3A_751 : vector<2x256x128xi32>
      %and3A_753 = arith.constant 1 : i32
      %and3A_754 = vector.broadcast %and3A_753 : i32 to vector<2x256x128xi32>
      %and3A_755 = arith.andi %shift_right_arithmetic3A_752, %and3A_754 : vector<2x256x128xi32>
      %eq3A_756 = arith.constant 0 : i32
      %eq3A_757 = vector.broadcast %eq3A_756 : i32 to vector<2x256x128xi32>
      %eq3A_758 = arith.cmpi eq, %and3A_755, %eq3A_757 : vector<2x256x128xi32>
      %select_n3A_759 = arith.select %eq3A_758, %roll3A_747, %roll3A_749 : vector<2x256x128xi1>, vector<2x256x128xi32>
      %xor3A_760 = arith.xori %and3A_755, %and3A_649 : vector<2x256x128xi32>
      %eq3A_761 = arith.constant 0 : i32
      %eq3A_762 = vector.broadcast %eq3A_761 : i32 to vector<2x256x128xi32>
      %eq3A_763 = arith.cmpi eq, %xor3A_760, %eq3A_762 : vector<2x256x128xi32>
      %min3A_764 = arith.minsi %select_n3A_745, %select_n3A_759 : vector<2x256x128xi32>
      %max3A_765 = arith.maxsi %select_n3A_745, %select_n3A_759 : vector<2x256x128xi32>
      %select_n3A_766 = arith.select %eq3A_763, %min3A_764, %max3A_765 : vector<2x256x128xi1>, vector<2x256x128xi32>
      %roll3A_767 = arith.constant 124 : i32
      %roll3A_768 = tpu.dynamic_rotate %select_n3A_766 by %roll3A_767 dim 2 : vector<2x256x128xi32>, i32 -> vector<2x256x128xi32>
      %roll3A_769 = arith.constant 4 : i32
      %roll3A_770 = tpu.dynamic_rotate %select_n3A_766 by %roll3A_769 dim 2 : vector<2x256x128xi32>, i32 -> vector<2x256x128xi32>
      %shift_right_arithmetic3A_771 = arith.constant 2 : i32
      %shift_right_arithmetic3A_772 = vector.broadcast %shift_right_arithmetic3A_771 : i32 to vector<2x256x128xi32>
      %shift_right_arithmetic3A_773 = arith.shrsi %iota3A_6, %shift_right_arithmetic3A_772 : vector<2x256x128xi32>
      %and3A_774 = arith.constant 1 : i32
      %and3A_775 = vector.broadcast %and3A_774 : i32 to vector<2x256x128xi32>
      %and3A_776 = arith.andi %shift_right_arithmetic3A_773, %and3A_775 : vector<2x256x128xi32>
      %eq3A_777 = arith.constant 0 : i32
      %eq3A_778 = vector.broadcast %eq3A_777 : i32 to vector<2x256x128xi32>
      %eq3A_779 = arith.cmpi eq, %and3A_776, %eq3A_778 : vector<2x256x128xi32>
      %select_n3A_780 = arith.select %eq3A_779, %roll3A_768, %roll3A_770 : vector<2x256x128xi1>, vector<2x256x128xi32>
      %xor3A_781 = arith.xori %and3A_776, %and3A_649 : vector<2x256x128xi32>
      %eq3A_782 = arith.constant 0 : i32
      %eq3A_783 = vector.broadcast %eq3A_782 : i32 to vector<2x256x128xi32>
      %eq3A_784 = arith.cmpi eq, %xor3A_781, %eq3A_783 : vector<2x256x128xi32>
      %min3A_785 = arith.minsi %select_n3A_766, %select_n3A_780 : vector<2x256x128xi32>
      %max3A_786 = arith.maxsi %select_n3A_766, %select_n3A_780 : vector<2x256x128xi32>
      %select_n3A_787 = arith.select %eq3A_784, %min3A_785, %max3A_786 : vector<2x256x128xi1>, vector<2x256x128xi32>
      %roll3A_788 = arith.constant 126 : i32
      %roll3A_789 = tpu.dynamic_rotate %select_n3A_787 by %roll3A_788 dim 2 : vector<2x256x128xi32>, i32 -> vector<2x256x128xi32>
      %roll3A_790 = arith.constant 2 : i32
      %roll3A_791 = tpu.dynamic_rotate %select_n3A_787 by %roll3A_790 dim 2 : vector<2x256x128xi32>, i32 -> vector<2x256x128xi32>
      %shift_right_arithmetic3A_792 = arith.constant 1 : i32
      %shift_right_arithmetic3A_793 = vector.broadcast %shift_right_arithmetic3A_792 : i32 to vector<2x256x128xi32>
      %shift_right_arithmetic3A_794 = arith.shrsi %iota3A_6, %shift_right_arithmetic3A_793 : vector<2x256x128xi32>
      %and3A_795 = arith.constant 1 : i32
      %and3A_796 = vector.broadcast %and3A_795 : i32 to vector<2x256x128xi32>
      %and3A_797 = arith.andi %shift_right_arithmetic3A_794, %and3A_796 : vector<2x256x128xi32>
      %eq3A_798 = arith.constant 0 : i32
      %eq3A_799 = vector.broadcast %eq3A_798 : i32 to vector<2x256x128xi32>
      %eq3A_800 = arith.cmpi eq, %and3A_797, %eq3A_799 : vector<2x256x128xi32>
      %select_n3A_801 = arith.select %eq3A_800, %roll3A_789, %roll3A_791 : vector<2x256x128xi1>, vector<2x256x128xi32>
      %xor3A_802 = arith.xori %and3A_797, %and3A_649 : vector<2x256x128xi32>
      %eq3A_803 = arith.constant 0 : i32
      %eq3A_804 = vector.broadcast %eq3A_803 : i32 to vector<2x256x128xi32>
      %eq3A_805 = arith.cmpi eq, %xor3A_802, %eq3A_804 : vector<2x256x128xi32>
      %min3A_806 = arith.minsi %select_n3A_787, %select_n3A_801 : vector<2x256x128xi32>
      %max3A_807 = arith.maxsi %select_n3A_787, %select_n3A_801 : vector<2x256x128xi32>
      %select_n3A_808 = arith.select %eq3A_805, %min3A_806, %max3A_807 : vector<2x256x128xi1>, vector<2x256x128xi32>
      %roll3A_809 = arith.constant 127 : i32
      %roll3A_810 = tpu.dynamic_rotate %select_n3A_808 by %roll3A_809 dim 2 : vector<2x256x128xi32>, i32 -> vector<2x256x128xi32>
      %roll3A_811 = arith.constant 1 : i32
      %roll3A_812 = tpu.dynamic_rotate %select_n3A_808 by %roll3A_811 dim 2 : vector<2x256x128xi32>, i32 -> vector<2x256x128xi32>
      %shift_right_arithmetic3A_813 = arith.constant 0 : i32
      %shift_right_arithmetic3A_814 = vector.broadcast %shift_right_arithmetic3A_813 : i32 to vector<2x256x128xi32>
      %shift_right_arithmetic3A_815 = arith.shrsi %iota3A_6, %shift_right_arithmetic3A_814 : vector<2x256x128xi32>
      %and3A_816 = arith.constant 1 : i32
      %and3A_817 = vector.broadcast %and3A_816 : i32 to vector<2x256x128xi32>
      %and3A_818 = arith.andi %shift_right_arithmetic3A_815, %and3A_817 : vector<2x256x128xi32>
      %eq3A_819 = arith.constant 0 : i32
      %eq3A_820 = vector.broadcast %eq3A_819 : i32 to vector<2x256x128xi32>
      %eq3A_821 = arith.cmpi eq, %and3A_818, %eq3A_820 : vector<2x256x128xi32>
      %select_n3A_822 = arith.select %eq3A_821, %roll3A_810, %roll3A_812 : vector<2x256x128xi1>, vector<2x256x128xi32>
      %xor3A_823 = arith.xori %and3A_818, %and3A_649 : vector<2x256x128xi32>
      %eq3A_824 = arith.constant 0 : i32
      %eq3A_825 = vector.broadcast %eq3A_824 : i32 to vector<2x256x128xi32>
      %eq3A_826 = arith.cmpi eq, %xor3A_823, %eq3A_825 : vector<2x256x128xi32>
      %min3A_827 = arith.minsi %select_n3A_808, %select_n3A_822 : vector<2x256x128xi32>
      %max3A_828 = arith.maxsi %select_n3A_808, %select_n3A_822 : vector<2x256x128xi32>
      %select_n3A_829 = arith.select %eq3A_826, %min3A_827, %max3A_828 : vector<2x256x128xi1>, vector<2x256x128xi32>
      scf.yield %select_n3A_829 : vector<2x256x128xi32>
    }
    %while3A_638 = arith.constant 1 : i32
    %while3A_639 = scf.for %while3A_643 = %while3A_635 to %while3A_631 step %while3A_638 iter_args(%while3A_644 = %while3A_637) -> (vector<2x256x128xi32>)  : i32 {
      %shift_right_arithmetic3A_645 = vector.broadcast %while3A_643 : i32 to vector<2x256x128xi32>
      %shift_right_arithmetic3A_646 = arith.shrsi %add3A, %shift_right_arithmetic3A_645 : vector<2x256x128xi32>
      %and3A_647 = arith.constant 1 : i32
      %and3A_648 = vector.broadcast %and3A_647 : i32 to vector<2x256x128xi32>
      %and3A_649 = arith.andi %shift_right_arithmetic3A_646, %and3A_648 : vector<2x256x128xi32>
      %sub3A = arith.constant 8 : i32
      %sub3A_650 = arith.subi %while3A_643, %sub3A : i32
      %while3A_651 = arith.constant 0 : i32
      %while3A_652 = arith.subi %sub3A_650, %while3A_651 : i32
      %while3A_653 = arith.addi %while3A_651, %while3A_652 : i32
      %while3A_654 = arith.constant 1 : i32
      %while3A_655 = arith.divsi %while3A_652, %while3A_654 : i32
      %while3A_656 = arith.muli %while3A_655, %while3A_654 : i32
      %while3A_657 = arith.addi %while3A_651, %while3A_656 : i32
      %while3A_658 = arith.constant 1 : i32
      %while3A_659 = scf.for %while3A_830 = %while3A_651 to %while3A_657 step %while3A_658 iter_args(%while3A_831 = %while3A_644) -> (vector<2x256x128xi32>)  : i32 {
        %sub3A_832 = arith.constant 1 : i32
        %sub3A_833 = arith.subi %while3A_643, %sub3A_832 : i32
        %sub3A_834 = arith.subi %sub3A_833, %while3A_830 : i32
        %sub3A_835 = arith.constant 7 : i32
        %sub3A_836 = arith.subi %sub3A_834, %sub3A_835 : i32
        %shift_left3A = arith.constant 1 : i32
        %shift_left3A_837 = arith.shli %shift_left3A, %sub3A_836 : i32
        %sub3A_838 = arith.constant 256 : i32
        %sub3A_839 = arith.subi %sub3A_838, %shift_left3A_837 : i32
        %roll3A_840 = tpu.dynamic_rotate %while3A_831 by %sub3A_839 dim 1 : vector<2x256x128xi32>, i32 -> vector<2x256x128xi32>
        %roll3A_841 = tpu.dynamic_rotate %while3A_831 by %shift_left3A_837 dim 1 : vector<2x256x128xi32>, i32 -> vector<2x256x128xi32>
        %shift_right_arithmetic3A_842 = vector.broadcast %sub3A_834 : i32 to vector<2x256x128xi32>
        %shift_right_arithmetic3A_843 = arith.shrsi %add3A, %shift_right_arithmetic3A_842 : vector<2x256x128xi32>
        %and3A_844 = arith.constant 1 : i32
        %and3A_845 = vector.broadcast %and3A_844 : i32 to vector<2x256x128xi32>
        %and3A_846 = arith.andi %shift_right_arithmetic3A_843, %and3A_845 : vector<2x256x128xi32>
        %eq3A_847 = arith.constant 0 : i32
        %eq3A_848 = vector.broadcast %eq3A_847 : i32 to vector<2x256x128xi32>
        %eq3A_849 = arith.cmpi eq, %and3A_846, %eq3A_848 : vector<2x256x128xi32>
        %select_n3A_850 = arith.select %eq3A_849, %roll3A_840, %roll3A_841 : vector<2x256x128xi1>, vector<2x256x128xi32>
        %xor3A_851 = arith.xori %and3A_846, %and3A_649 : vector<2x256x128xi32>
        %eq3A_852 = arith.constant 0 : i32
        %eq3A_853 = vector.broadcast %eq3A_852 : i32 to vector<2x256x128xi32>
        %eq3A_854 = arith.cmpi eq, %xor3A_851, %eq3A_853 : vector<2x256x128xi32>
        %min3A_855 = arith.minsi %while3A_831, %select_n3A_850 : vector<2x256x128xi32>
        %max3A_856 = arith.maxsi %while3A_831, %select_n3A_850 : vector<2x256x128xi32>
        %select_n3A_857 = arith.select %eq3A_854, %min3A_855, %max3A_856 : vector<2x256x128xi1>, vector<2x256x128xi32>
        scf.yield %select_n3A_857 : vector<2x256x128xi32>
      }
      %while3A_660 = arith.constant 1 : i32
      %while3A_661 = scf.for %while3A_830 = %while3A_657 to %while3A_653 step %while3A_660 iter_args(%while3A_831 = %while3A_659) -> (vector<2x256x128xi32>)  : i32 {
        %sub3A_832 = arith.constant 1 : i32
        %sub3A_833 = arith.subi %while3A_643, %sub3A_832 : i32
        %sub3A_834 = arith.subi %sub3A_833, %while3A_830 : i32
        %sub3A_835 = arith.constant 7 : i32
        %sub3A_836 = arith.subi %sub3A_834, %sub3A_835 : i32
        %shift_left3A = arith.constant 1 : i32
        %shift_left3A_837 = arith.shli %shift_left3A, %sub3A_836 : i32
        %sub3A_838 = arith.constant 256 : i32
        %sub3A_839 = arith.subi %sub3A_838, %shift_left3A_837 : i32
        %roll3A_840 = tpu.dynamic_rotate %while3A_831 by %sub3A_839 dim 1 : vector<2x256x128xi32>, i32 -> vector<2x256x128xi32>
        %roll3A_841 = tpu.dynamic_rotate %while3A_831 by %shift_left3A_837 dim 1 : vector<2x256x128xi32>, i32 -> vector<2x256x128xi32>
        %shift_right_arithmetic3A_842 = vector.broadcast %sub3A_834 : i32 to vector<2x256x128xi32>
        %shift_right_arithmetic3A_843 = arith.shrsi %add3A, %shift_right_arithmetic3A_842 : vector<2x256x128xi32>
        %and3A_844 = arith.constant 1 : i32
        %and3A_845 = vector.broadcast %and3A_844 : i32 to vector<2x256x128xi32>
        %and3A_846 = arith.andi %shift_right_arithmetic3A_843, %and3A_845 : vector<2x256x128xi32>
        %eq3A_847 = arith.constant 0 : i32
        %eq3A_848 = vector.broadcast %eq3A_847 : i32 to vector<2x256x128xi32>
        %eq3A_849 = arith.cmpi eq, %and3A_846, %eq3A_848 : vector<2x256x128xi32>
        %select_n3A_850 = arith.select %eq3A_849, %roll3A_840, %roll3A_841 : vector<2x256x128xi1>, vector<2x256x128xi32>
        %xor3A_851 = arith.xori %and3A_846, %and3A_649 : vector<2x256x128xi32>
        %eq3A_852 = arith.constant 0 : i32
        %eq3A_853 = vector.broadcast %eq3A_852 : i32 to vector<2x256x128xi32>
        %eq3A_854 = arith.cmpi eq, %xor3A_851, %eq3A_853 : vector<2x256x128xi32>
        %min3A_855 = arith.minsi %while3A_831, %select_n3A_850 : vector<2x256x128xi32>
        %max3A_856 = arith.maxsi %while3A_831, %select_n3A_850 : vector<2x256x128xi32>
        %select_n3A_857 = arith.select %eq3A_854, %min3A_855, %max3A_856 : vector<2x256x128xi1>, vector<2x256x128xi32>
        scf.yield %select_n3A_857 : vector<2x256x128xi32>
      }
      %roll3A_662 = arith.constant 255 : i32
      %roll3A_663 = tpu.dynamic_rotate %while3A_661 by %roll3A_662 dim 1 : vector<2x256x128xi32>, i32 -> vector<2x256x128xi32>
      %roll3A_664 = arith.constant 1 : i32
      %roll3A_665 = tpu.dynamic_rotate %while3A_661 by %roll3A_664 dim 1 : vector<2x256x128xi32>, i32 -> vector<2x256x128xi32>
      %shift_right_arithmetic3A_666 = arith.constant 7 : i32
      %shift_right_arithmetic3A_667 = vector.broadcast %shift_right_arithmetic3A_666 : i32 to vector<2x256x128xi32>
      %shift_right_arithmetic3A_668 = arith.shrsi %add3A, %shift_right_arithmetic3A_667 : vector<2x256x128xi32>
      %and3A_669 = arith.constant 1 : i32
      %and3A_670 = vector.broadcast %and3A_669 : i32 to vector<2x256x128xi32>
      %and3A_671 = arith.andi %shift_right_arithmetic3A_668, %and3A_670 : vector<2x256x128xi32>
      %eq3A_672 = arith.constant 0 : i32
      %eq3A_673 = vector.broadcast %eq3A_672 : i32 to vector<2x256x128xi32>
      %eq3A_674 = arith.cmpi eq, %and3A_671, %eq3A_673 : vector<2x256x128xi32>
      %select_n3A_675 = arith.select %eq3A_674, %roll3A_663, %roll3A_665 : vector<2x256x128xi1>, vector<2x256x128xi32>
      %xor3A_676 = arith.xori %and3A_671, %and3A_649 : vector<2x256x128xi32>
      %eq3A_677 = arith.constant 0 : i32
      %eq3A_678 = vector.broadcast %eq3A_677 : i32 to vector<2x256x128xi32>
      %eq3A_679 = arith.cmpi eq, %xor3A_676, %eq3A_678 : vector<2x256x128xi32>
      %min3A_680 = arith.minsi %while3A_661, %select_n3A_675 : vector<2x256x128xi32>
      %max3A_681 = arith.maxsi %while3A_661, %select_n3A_675 : vector<2x256x128xi32>
      %select_n3A_682 = arith.select %eq3A_679, %min3A_680, %max3A_681 : vector<2x256x128xi1>, vector<2x256x128xi32>
      %roll3A_683 = arith.constant 64 : i32
      %roll3A_684 = tpu.dynamic_rotate %select_n3A_682 by %roll3A_683 dim 2 : vector<2x256x128xi32>, i32 -> vector<2x256x128xi32>
      %roll3A_685 = arith.constant 64 : i32
      %roll3A_686 = tpu.dynamic_rotate %select_n3A_682 by %roll3A_685 dim 2 : vector<2x256x128xi32>, i32 -> vector<2x256x128xi32>
      %shift_right_arithmetic3A_687 = arith.constant 6 : i32
      %shift_right_arithmetic3A_688 = vector.broadcast %shift_right_arithmetic3A_687 : i32 to vector<2x256x128xi32>
      %shift_right_arithmetic3A_689 = arith.shrsi %iota3A_6, %shift_right_arithmetic3A_688 : vector<2x256x128xi32>
      %and3A_690 = arith.constant 1 : i32
      %and3A_691 = vector.broadcast %and3A_690 : i32 to vector<2x256x128xi32>
      %and3A_692 = arith.andi %shift_right_arithmetic3A_689, %and3A_691 : vector<2x256x128xi32>
      %eq3A_693 = arith.constant 0 : i32
      %eq3A_694 = vector.broadcast %eq3A_693 : i32 to vector<2x256x128xi32>
      %eq3A_695 = arith.cmpi eq, %and3A_692, %eq3A_694 : vector<2x256x128xi32>
      %select_n3A_696 = arith.select %eq3A_695, %roll3A_684, %roll3A_686 : vector<2x256x128xi1>, vector<2x256x128xi32>
      %xor3A_697 = arith.xori %and3A_692, %and3A_649 : vector<2x256x128xi32>
      %eq3A_698 = arith.constant 0 : i32
      %eq3A_699 = vector.broadcast %eq3A_698 : i32 to vector<2x256x128xi32>
      %eq3A_700 = arith.cmpi eq, %xor3A_697, %eq3A_699 : vector<2x256x128xi32>
      %min3A_701 = arith.minsi %select_n3A_682, %select_n3A_696 : vector<2x256x128xi32>
      %max3A_702 = arith.maxsi %select_n3A_682, %select_n3A_696 : vector<2x256x128xi32>
      %select_n3A_703 = arith.select %eq3A_700, %min3A_701, %max3A_702 : vector<2x256x128xi1>, vector<2x256x128xi32>
      %roll3A_704 = arith.constant 96 : i32
      %roll3A_705 = tpu.dynamic_rotate %select_n3A_703 by %roll3A_704 dim 2 : vector<2x256x128xi32>, i32 -> vector<2x256x128xi32>
      %roll3A_706 = arith.constant 32 : i32
      %roll3A_707 = tpu.dynamic_rotate %select_n3A_703 by %roll3A_706 dim 2 : vector<2x256x128xi32>, i32 -> vector<2x256x128xi32>
      %shift_right_arithmetic3A_708 = arith.constant 5 : i32
      %shift_right_arithmetic3A_709 = vector.broadcast %shift_right_arithmetic3A_708 : i32 to vector<2x256x128xi32>
      %shift_right_arithmetic3A_710 = arith.shrsi %iota3A_6, %shift_right_arithmetic3A_709 : vector<2x256x128xi32>
      %and3A_711 = arith.constant 1 : i32
      %and3A_712 = vector.broadcast %and3A_711 : i32 to vector<2x256x128xi32>
      %and3A_713 = arith.andi %shift_right_arithmetic3A_710, %and3A_712 : vector<2x256x128xi32>
      %eq3A_714 = arith.constant 0 : i32
      %eq3A_715 = vector.broadcast %eq3A_714 : i32 to vector<2x256x128xi32>
      %eq3A_716 = arith.cmpi eq, %and3A_713, %eq3A_715 : vector<2x256x128xi32>
      %select_n3A_717 = arith.select %eq3A_716, %roll3A_705, %roll3A_707 : vector<2x256x128xi1>, vector<2x256x128xi32>
      %xor3A_718 = arith.xori %and3A_713, %and3A_649 : vector<2x256x128xi32>
      %eq3A_719 = arith.constant 0 : i32
      %eq3A_720 = vector.broadcast %eq3A_719 : i32 to vector<2x256x128xi32>
      %eq3A_721 = arith.cmpi eq, %xor3A_718, %eq3A_720 : vector<2x256x128xi32>
      %min3A_722 = arith.minsi %select_n3A_703, %select_n3A_717 : vector<2x256x128xi32>
      %max3A_723 = arith.maxsi %select_n3A_703, %select_n3A_717 : vector<2x256x128xi32>
      %select_n3A_724 = arith.select %eq3A_721, %min3A_722, %max3A_723 : vector<2x256x128xi1>, vector<2x256x128xi32>
      %roll3A_725 = arith.constant 112 : i32
      %roll3A_726 = tpu.dynamic_rotate %select_n3A_724 by %roll3A_725 dim 2 : vector<2x256x128xi32>, i32 -> vector<2x256x128xi32>
      %roll3A_727 = arith.constant 16 : i32
      %roll3A_728 = tpu.dynamic_rotate %select_n3A_724 by %roll3A_727 dim 2 : vector<2x256x128xi32>, i32 -> vector<2x256x128xi32>
      %shift_right_arithmetic3A_729 = arith.constant 4 : i32
      %shift_right_arithmetic3A_730 = vector.broadcast %shift_right_arithmetic3A_729 : i32 to vector<2x256x128xi32>
      %shift_right_arithmetic3A_731 = arith.shrsi %iota3A_6, %shift_right_arithmetic3A_730 : vector<2x256x128xi32>
      %and3A_732 = arith.constant 1 : i32
      %and3A_733 = vector.broadcast %and3A_732 : i32 to vector<2x256x128xi32>
      %and3A_734 = arith.andi %shift_right_arithmetic3A_731, %and3A_733 : vector<2x256x128xi32>
      %eq3A_735 = arith.constant 0 : i32
      %eq3A_736 = vector.broadcast %eq3A_735 : i32 to vector<2x256x128xi32>
      %eq3A_737 = arith.cmpi eq, %and3A_734, %eq3A_736 : vector<2x256x128xi32>
      %select_n3A_738 = arith.select %eq3A_737, %roll3A_726, %roll3A_728 : vector<2x256x128xi1>, vector<2x256x128xi32>
      %xor3A_739 = arith.xori %and3A_734, %and3A_649 : vector<2x256x128xi32>
      %eq3A_740 = arith.constant 0 : i32
      %eq3A_741 = vector.broadcast %eq3A_740 : i32 to vector<2x256x128xi32>
      %eq3A_742 = arith.cmpi eq, %xor3A_739, %eq3A_741 : vector<2x256x128xi32>
      %min3A_743 = arith.minsi %select_n3A_724, %select_n3A_738 : vector<2x256x128xi32>
      %max3A_744 = arith.maxsi %select_n3A_724, %select_n3A_738 : vector<2x256x128xi32>
      %select_n3A_745 = arith.select %eq3A_742, %min3A_743, %max3A_744 : vector<2x256x128xi1>, vector<2x256x128xi32>
      %roll3A_746 = arith.constant 120 : i32
      %roll3A_747 = tpu.dynamic_rotate %select_n3A_745 by %roll3A_746 dim 2 : vector<2x256x128xi32>, i32 -> vector<2x256x128xi32>
      %roll3A_748 = arith.constant 8 : i32
      %roll3A_749 = tpu.dynamic_rotate %select_n3A_745 by %roll3A_748 dim 2 : vector<2x256x128xi32>, i32 -> vector<2x256x128xi32>
      %shift_right_arithmetic3A_750 = arith.constant 3 : i32
      %shift_right_arithmetic3A_751 = vector.broadcast %shift_right_arithmetic3A_750 : i32 to vector<2x256x128xi32>
      %shift_right_arithmetic3A_752 = arith.shrsi %iota3A_6, %shift_right_arithmetic3A_751 : vector<2x256x128xi32>
      %and3A_753 = arith.constant 1 : i32
      %and3A_754 = vector.broadcast %and3A_753 : i32 to vector<2x256x128xi32>
      %and3A_755 = arith.andi %shift_right_arithmetic3A_752, %and3A_754 : vector<2x256x128xi32>
      %eq3A_756 = arith.constant 0 : i32
      %eq3A_757 = vector.broadcast %eq3A_756 : i32 to vector<2x256x128xi32>
      %eq3A_758 = arith.cmpi eq, %and3A_755, %eq3A_757 : vector<2x256x128xi32>
      %select_n3A_759 = arith.select %eq3A_758, %roll3A_747, %roll3A_749 : vector<2x256x128xi1>, vector<2x256x128xi32>
      %xor3A_760 = arith.xori %and3A_755, %and3A_649 : vector<2x256x128xi32>
      %eq3A_761 = arith.constant 0 : i32
      %eq3A_762 = vector.broadcast %eq3A_761 : i32 to vector<2x256x128xi32>
      %eq3A_763 = arith.cmpi eq, %xor3A_760, %eq3A_762 : vector<2x256x128xi32>
      %min3A_764 = arith.minsi %select_n3A_745, %select_n3A_759 : vector<2x256x128xi32>
      %max3A_765 = arith.maxsi %select_n3A_745, %select_n3A_759 : vector<2x256x128xi32>
      %select_n3A_766 = arith.select %eq3A_763, %min3A_764, %max3A_765 : vector<2x256x128xi1>, vector<2x256x128xi32>
      %roll3A_767 = arith.constant 124 : i32
      %roll3A_768 = tpu.dynamic_rotate %select_n3A_766 by %roll3A_767 dim 2 : vector<2x256x128xi32>, i32 -> vector<2x256x128xi32>
      %roll3A_769 = arith.constant 4 : i32
      %roll3A_770 = tpu.dynamic_rotate %select_n3A_766 by %roll3A_769 dim 2 : vector<2x256x128xi32>, i32 -> vector<2x256x128xi32>
      %shift_right_arithmetic3A_771 = arith.constant 2 : i32
      %shift_right_arithmetic3A_772 = vector.broadcast %shift_right_arithmetic3A_771 : i32 to vector<2x256x128xi32>
      %shift_right_arithmetic3A_773 = arith.shrsi %iota3A_6, %shift_right_arithmetic3A_772 : vector<2x256x128xi32>
      %and3A_774 = arith.constant 1 : i32
      %and3A_775 = vector.broadcast %and3A_774 : i32 to vector<2x256x128xi32>
      %and3A_776 = arith.andi %shift_right_arithmetic3A_773, %and3A_775 : vector<2x256x128xi32>
      %eq3A_777 = arith.constant 0 : i32
      %eq3A_778 = vector.broadcast %eq3A_777 : i32 to vector<2x256x128xi32>
      %eq3A_779 = arith.cmpi eq, %and3A_776, %eq3A_778 : vector<2x256x128xi32>
      %select_n3A_780 = arith.select %eq3A_779, %roll3A_768, %roll3A_770 : vector<2x256x128xi1>, vector<2x256x128xi32>
      %xor3A_781 = arith.xori %and3A_776, %and3A_649 : vector<2x256x128xi32>
      %eq3A_782 = arith.constant 0 : i32
      %eq3A_783 = vector.broadcast %eq3A_782 : i32 to vector<2x256x128xi32>
      %eq3A_784 = arith.cmpi eq, %xor3A_781, %eq3A_783 : vector<2x256x128xi32>
      %min3A_785 = arith.minsi %select_n3A_766, %select_n3A_780 : vector<2x256x128xi32>
      %max3A_786 = arith.maxsi %select_n3A_766, %select_n3A_780 : vector<2x256x128xi32>
      %select_n3A_787 = arith.select %eq3A_784, %min3A_785, %max3A_786 : vector<2x256x128xi1>, vector<2x256x128xi32>
      %roll3A_788 = arith.constant 126 : i32
      %roll3A_789 = tpu.dynamic_rotate %select_n3A_787 by %roll3A_788 dim 2 : vector<2x256x128xi32>, i32 -> vector<2x256x128xi32>
      %roll3A_790 = arith.constant 2 : i32
      %roll3A_791 = tpu.dynamic_rotate %select_n3A_787 by %roll3A_790 dim 2 : vector<2x256x128xi32>, i32 -> vector<2x256x128xi32>
      %shift_right_arithmetic3A_792 = arith.constant 1 : i32
      %shift_right_arithmetic3A_793 = vector.broadcast %shift_right_arithmetic3A_792 : i32 to vector<2x256x128xi32>
      %shift_right_arithmetic3A_794 = arith.shrsi %iota3A_6, %shift_right_arithmetic3A_793 : vector<2x256x128xi32>
      %and3A_795 = arith.constant 1 : i32
      %and3A_796 = vector.broadcast %and3A_795 : i32 to vector<2x256x128xi32>
      %and3A_797 = arith.andi %shift_right_arithmetic3A_794, %and3A_796 : vector<2x256x128xi32>
      %eq3A_798 = arith.constant 0 : i32
      %eq3A_799 = vector.broadcast %eq3A_798 : i32 to vector<2x256x128xi32>
      %eq3A_800 = arith.cmpi eq, %and3A_797, %eq3A_799 : vector<2x256x128xi32>
      %select_n3A_801 = arith.select %eq3A_800, %roll3A_789, %roll3A_791 : vector<2x256x128xi1>, vector<2x256x128xi32>
      %xor3A_802 = arith.xori %and3A_797, %and3A_649 : vector<2x256x128xi32>
      %eq3A_803 = arith.constant 0 : i32
      %eq3A_804 = vector.broadcast %eq3A_803 : i32 to vector<2x256x128xi32>
      %eq3A_805 = arith.cmpi eq, %xor3A_802, %eq3A_804 : vector<2x256x128xi32>
      %min3A_806 = arith.minsi %select_n3A_787, %select_n3A_801 : vector<2x256x128xi32>
      %max3A_807 = arith.maxsi %select_n3A_787, %select_n3A_801 : vector<2x256x128xi32>
      %select_n3A_808 = arith.select %eq3A_805, %min3A_806, %max3A_807 : vector<2x256x128xi1>, vector<2x256x128xi32>
      %roll3A_809 = arith.constant 127 : i32
      %roll3A_810 = tpu.dynamic_rotate %select_n3A_808 by %roll3A_809 dim 2 : vector<2x256x128xi32>, i32 -> vector<2x256x128xi32>
      %roll3A_811 = arith.constant 1 : i32
      %roll3A_812 = tpu.dynamic_rotate %select_n3A_808 by %roll3A_811 dim 2 : vector<2x256x128xi32>, i32 -> vector<2x256x128xi32>
      %shift_right_arithmetic3A_813 = arith.constant 0 : i32
      %shift_right_arithmetic3A_814 = vector.broadcast %shift_right_arithmetic3A_813 : i32 to vector<2x256x128xi32>
      %shift_right_arithmetic3A_815 = arith.shrsi %iota3A_6, %shift_right_arithmetic3A_814 : vector<2x256x128xi32>
      %and3A_816 = arith.constant 1 : i32
      %and3A_817 = vector.broadcast %and3A_816 : i32 to vector<2x256x128xi32>
      %and3A_818 = arith.andi %shift_right_arithmetic3A_815, %and3A_817 : vector<2x256x128xi32>
      %eq3A_819 = arith.constant 0 : i32
      %eq3A_820 = vector.broadcast %eq3A_819 : i32 to vector<2x256x128xi32>
      %eq3A_821 = arith.cmpi eq, %and3A_818, %eq3A_820 : vector<2x256x128xi32>
      %select_n3A_822 = arith.select %eq3A_821, %roll3A_810, %roll3A_812 : vector<2x256x128xi1>, vector<2x256x128xi32>
      %xor3A_823 = arith.xori %and3A_818, %and3A_649 : vector<2x256x128xi32>
      %eq3A_824 = arith.constant 0 : i32
      %eq3A_825 = vector.broadcast %eq3A_824 : i32 to vector<2x256x128xi32>
      %eq3A_826 = arith.cmpi eq, %xor3A_823, %eq3A_825 : vector<2x256x128xi32>
      %min3A_827 = arith.minsi %select_n3A_808, %select_n3A_822 : vector<2x256x128xi32>
      %max3A_828 = arith.maxsi %select_n3A_808, %select_n3A_822 : vector<2x256x128xi32>
      %select_n3A_829 = arith.select %eq3A_826, %min3A_827, %max3A_828 : vector<2x256x128xi1>, vector<2x256x128xi32>
      scf.yield %select_n3A_829 : vector<2x256x128xi32>
    }
    %swap3A = arith.constant 0 : index
    %swap3A_640 = arith.constant 0 : index
    %swap3A_641 = arith.constant 0 : index
    %swap3A_642 = vector.load %arg2[%swap3A, %swap3A_640, %swap3A_641] : memref<2x256x128xi32, #tpu.memory_space<vmem>>, vector<2x256x128xi32>
    tpu.vector_store %arg2[%swap3A, %swap3A_640, %swap3A_641], %while3A_639 {strides = array<i32>} : memref<2x256x128xi32, #tpu.memory_space<vmem>>, vector<2x256x128xi32>,
    return
  }
  func.func @transform_0(%arg0: i32) -> (i32, i32, i32) {
    %c0_i32 = arith.constant 0 : i32
    %c0_i32_0 = arith.constant 0 : i32
    %c0_i32_1 = arith.constant 0 : i32
    return %arg0, %c0_i32, %c0_i32_0 : i32, i32, i32
  }
  func.func @transform_1(%arg0: i32) -> (i32, i32, i32) {
    %c0_i32 = arith.constant 0 : i32
    %c0_i32_0 = arith.constant 0 : i32
    %c0_i32_1 = arith.constant 0 : i32
    return %arg0, %c0_i32, %c0_i32_0 : i32, i32, i32
  }
}

</mosaic_0001>

<sc_bundles>
// kernel: kernel.5.cloned.1.call-start
scs
__scs_entry_jumppad:
0x0: {  	(pc) =	sbr.rel $0x88, $3  }
0x1: {  	(tag) =	ssettag $0x0;
	lr =	simm.s32 $0x1  }
0x2: {  	[smem:$0x3F9D] =	sst lr;
	_ =	strace $0xD0000000  }
0x3: {  	_ = 	snop  }
0x4: {  	_ = 	snop  }
0x5: {  	_ = 	snop  }
0x6: {  	_ = 	snop  }
0x7: {  	_ = 	snop  }
__scs_overlays_trampoline_lowered:
0x8: {  	[smem:$0x3FAC] =	sst s0  }
0x9: {  	[smem:$0x3FAD] =	sst s1  }
0xa: {  	[smem:$0x3FAE] =	sst s2  }
0xb: {  	[smem:$0x3FAF] =	sst s3  }
0xc: {  	[smem:$0x3FB0] =	sst s4  }
0xd: {  	[smem:$0x3FB1] =	sst s5  }
0xe: {  	[smem:$0x3FB2] =	sst s6  }
0xf: {  	[smem:$0x3FB3] =	sst s7  }
0x10: {  	[smem:$0x3FB4] =	sst s8  }
0x11: {  	[smem:$0x3FB5] =	sst s9;
	s0 =	simm.s32 @!p0 $0x0  }
0x12: {  	s1 =	sld [smem:$0x3F9B];
	s0 =	simm.s32 @p0 $0x1  }
0x13: {  	[smem:$0x3FB6] =	sst s0;
	s0 =	simm.s32 @!p1 $0x0  }
0x14: {  	s2 =	sld [smem:$0x3F9A];
	s0 =	simm.s32 @p1 $0x1  }
0x15: {  	[smem:$0x3FB7] =	sst s0;
	s0 =	simm.s32 @!p2 $0x0  }
0x16: {  	s3 =	sld [smem:$0x3FDB];
	s0 =	simm.s32 @p2 $0x1  }
0x17: {  	s4 =	simm.s32 $0x1BF5;
	[smem:$0x3FB9] =	sst s0  }
0x18: {  	s0 =	sld [smem:$0x3F9C];
	_ =	swait.ge [sflag:s4], $0x0  }
0x19: {  	s7 =	sld [smem:$0x3F9D]  }
0x1a: {  	s8 =	sadd.s32 $0xFFFFE003, lr  }
0x1b: {  	s9 =	sadd.s32 $0xFFFFFEF7, lr;
	s5 =	simm.s32 $0xFFFFFFFF;
	p2 =	slt.u32 s8, $0xFFFFF086  }
0x1c: {  	p1 =	slt.u32 s9, $0xF7A;
	s5 =	simm.s32 @!p2 $0x0  }
0x1d: {  	s5 =	simm.s32 @p1 $0x1;
	p0 =	seq.s32 s7, s2  }
0x1e: {  	s7 =	smul.u32 @!p0 $0xF7A, s2;
	p2 =	seq.s32 @!p0 s5, $0x0  }
0x1f: {  	s9 =	smul.u32 $0xF7A, s1;
	s8 =	simm.s32 @!p0 $0x1BF5;
	p2 =	por !p2, p0  }
0x20: {  	[sflag:s8] =	ssyncset.s32 @!p0 $0xFFFFF086;
	s6 =	sadd.s32 @!p0 s3, s7;
	s7 =	simm.s32 @!p0 $0x108  }
0x21: {  	s3 =	sadd.s32 s3, s9;
	s6 =	sadd.s32 @!p0 $0x88, s6;
	s7 =	simm.s32 @p2 $0x1082  }
0x22: {  	[simem:s7], [sflag:s8] =	dma.local @!p0 [hbm:s6], $0xF7A  }
0x23: {  	s9 =	sor.u32 $0xD0000000, s2;
	s6 =	simm.s32 $0x108;
	_ =	swait.ge @!p0 [sflag:s8], $0x0  }
0x24: {  	s3 =	sadd.s32 $0x88, s3;
	s6 =	simm.s32 @!p1 $0x1082;
	[sflag:s4] =	ssyncset.s32 $0xFFFFF086  }
0x25: {  	[simem:s6], [sflag:s4] =	dma.local [hbm:s3], $0xF7A  }
0x26: {  	[smem:$0x3F9D] =	sst s1;
	(tag) =	ssettag s2;
	_ =	strace s9  }
0x27: {  	s1 =	sld [smem:$0x3FAD]  }
0x28: {  	s2 =	sld [smem:$0x3FAE]  }
0x29: {  	s4 =	sld [smem:$0x3FB0]  }
0x2a: {  	p0 =	seq.s32 s5, $0x0;
	s5 =	sld [smem:$0x3FB1]  }
0x2b: {  	s6 =	sld [smem:$0x3FB2]  }
0x2c: {  	s7 =	sld [smem:$0x3FB3]  }
0x2d: {  	s3 =	simm.s32 $0x108;
	s8 =	sld [smem:$0x3FB4]  }
0x2e: {  	s3 =	simm.s32 @!p0 $0x1082;
	s9 =	sld [smem:$0x3FB5]  }
0x2f: {  	lr =	sadd.s32 s0, s3;
	s0 =	sld [smem:$0x3FAC]  }
0x30: {  	s3 =	sld [smem:$0x3FAF]  }
0x31: {  	[smem:$0x3FB8] =	sst s10  }
0x32: {  	s10 =	sld [smem:$0x3FB6];
	_ =	sdelay $0x3  }
0x33: {  	p0 =	seq.s32 s10, $0x1;
	s10 =	sld [smem:$0x3FB8];
	_ =	sdelay $0x3  }
0x34: {  	[smem:$0x3FB8] =	sst s10  }
0x35: {  	s10 =	sld [smem:$0x3FB7];
	_ =	sdelay $0x3  }
0x36: {  	p1 =	seq.s32 s10, $0x1;
	s10 =	sld [smem:$0x3FB8];
	_ =	sdelay $0x3  }
0x37: {  	[smem:$0x3FB8] =	sst s10  }
0x38: {  	s10 =	sld [smem:$0x3FB9]  }
0x39: {  	_ = 	snop;
	(pc) =	sbr.ind lr, $3  }
0x3a: {  	_ = 	snop  }
0x3b: {  	_ = 	snop  }
0x3c: {  	p2 =	seq.s32 s10, $0x1;
	s10 =	sld [smem:$0x3FB8]  }
0x3d: {  	_ =	shalt  }
0x3e: {  	_ =	shalt  }
0x3f: {  	_ =	shalt  }
0x40: {  	_ =	shalt  }
0x41: {  	_ =	shalt  }
0x42: {  	_ =	shalt  }
0x43: {  	_ =	shalt  }
0x44: {  	_ =	shalt  }
0x45: {  	_ =	shalt  }
0x46: {  	_ =	shalt  }
0x47: {  	_ =	shalt  }
0x48: {  	_ =	shalt  }
0x49: {  	_ =	shalt  }
0x4a: {  	_ =	shalt  }
0x4b: {  	_ =	shalt  }
0x4c: {  	_ =	shalt  }
0x4d: {  	_ =	shalt  }
0x4e: {  	_ =	shalt  }
0x4f: {  	_ =	shalt  }
0x50: {  	_ =	shalt  }
0x51: {  	_ =	shalt  }
0x52: {  	_ =	shalt  }
0x53: {  	_ =	shalt  }
0x54: {  	_ =	shalt  }
0x55: {  	_ =	shalt  }
0x56: {  	_ =	shalt  }
0x57: {  	_ =	shalt  }
0x58: {  	_ =	shalt  }
0x59: {  	_ =	shalt  }
0x5a: {  	_ =	shalt  }
0x5b: {  	_ =	shalt  }
0x5c: {  	_ =	shalt  }
0x5d: {  	_ =	shalt  }
0x5e: {  	_ =	shalt  }
0x5f: {  	_ =	shalt  }
0x60: {  	_ =	shalt  }
0x61: {  	_ =	shalt  }
0x62: {  	_ =	shalt  }
0x63: {  	_ =	shalt  }
0x64: {  	_ =	shalt  }
0x65: {  	_ =	shalt  }
0x66: {  	_ =	shalt  }
0x67: {  	_ =	shalt  }
0x68: {  	_ =	shalt  }
0x69: {  	_ =	shalt  }
0x6a: {  	_ =	shalt  }
0x6b: {  	_ =	shalt  }
0x6c: {  	_ =	shalt  }
0x6d: {  	_ =	shalt  }
0x6e: {  	_ =	shalt  }
0x6f: {  	_ =	shalt  }
0x70: {  	_ =	shalt  }
0x71: {  	_ =	shalt  }
0x72: {  	_ =	shalt  }
0x73: {  	_ =	shalt  }
0x74: {  	_ =	shalt  }
0x75: {  	_ =	shalt  }
0x76: {  	_ =	shalt  }
0x77: {  	_ =	shalt  }
0x78: {  	_ =	shalt  }
0x79: {  	_ =	shalt  }
0x7a: {  	_ =	shalt  }
0x7b: {  	_ =	shalt  }
0x7c: {  	_ =	shalt  }
0x7d: {  	_ =	shalt  }
0x7e: {  	_ =	shalt  }
0x7f: {  	_ =	shalt  }
0x80: {  	_ =	shalt  }
0x81: {  	_ =	shalt  }
0x82: {  	_ =	shalt  }
0x83: {  	_ =	shalt  }
0x84: {  	_ =	shalt  }
0x85: {  	_ =	shalt  }
0x86: {  	_ =	shalt  }
0x87: {  	_ =	shalt  }
.Lfunc_end0:
.L_simem_size_0:
called_computation.2_lowered:
.L_overlay_start_0:
0x88: {  	s2 =	sld [smem:$0x3FD9]  }
0x89: {  	s3 =	sld [smem:$0x3FFE];
	_ =	sdelay $0x1  }
0x8a: {  	s1 =	srdreg.scid  }
0x8b: {  	s0 =	sand.u32 $0x1, s1  }
0x8c: {  	s17 =	sshll.u32 s0, $0xA;
	s2 =	sadd.s32 s3, s2  }
0x8d: {  	s2 =	sadd.s32 s2, s17  }
0x8e: {  	[smem:$0x3FC4] =	sst s2  }
0x8f: {  	_ = 	snop  }
0x90: {  	s2 =	sld [smem:$0x3FD0];
	(tm) =	ssettm $0x1  }
0x91: {  	s18 =	sld [smem:$0x3FFB];
	_ =	sdelay $0x3  }
0x92: {  	_ =	strace s18  }
0x93: {  	s3 =	sld [smem:$0x3FFC];
	_ =	sdelay $0x3  }
0x94: {  	_ =	strace s3  }
0x95: {  	s3 =	sld [smem:$0x3FFD];
	_ =	sdelay $0x3  }
0x96: {  	_ =	strace s3  }
0x97: {  	_ =	strace $0x8FFFFFFF  }
0x98: {  	s19 =	sld [smem:$0x3FDB];
	_ =	sdelay $0x1  }
0x99: {  	s4 =	simm.s32 $_scs_section_size  }
0x9a: {  	s5 =	simm.s32 $_size__tile_overlayer_lowered;
	s6 =	simm.s32 $_tile_overlayer_lowered  }
0x9b: {  	s22 =	simm.s32 $0x1BFF;
	s21 =	sshll.u32 s6, $0x1;
	s3 =	sadd.s32 s4, s19  }
0x9c: {  	s7 =	simm.s32 $0x0;
	s20 =	sshll.u32 s5, $0x1;
	s5 =	sadd.s32 s21, s3  }
0x9d: {  	[timem:s7], [sflag:s22] =	dma.local [hbm:s5], s20  }
0x9e: {  	_ =	swait.ge [sflag:s22], s20  }
0x9f: {  	s4 =	ssub.s32 $0x0, s20;
	[sflag:s22] =	ssyncset.done $0x0  }
0xa0: {  	[sflag:s22] =	ssyncadd.s32 s4;
	_ =	sdelay $0x1  }
0xa1: {  	s23 =	simm.s32 $0x1B8B  }
0xa2: {  	_ =	swait.ge [sflag:s23], $0x1  }
0xa3: {  	[sflag:s23] =	ssyncset.done $0x0  }
0xa4: {  	s25 =	simm.s32 $0x1B8E;
	s24 =	sld [smem:$0x3FFE];
	[sflag:s23] =	ssyncadd.s32 $0xFFFFFFFF  }
0xa5: {  	s26 =	simm.s32 $execute0_lowered;
	[smem:$0x3FD2] =	sst s25  }
0xa6: {  	s5 =	sshll.u32 s26, $0x1;
	_ =	strace $0x8000004C;
	[dreg:$0x1] =	wrdreg $0xFFFFFFFF  }
0xa7: {  	s28 =	simm.s32 $_size_execute0_lowered;
	s3 =	sadd.s32 s3, s5;
	[dreg:$0x0] =	wrdreg $0x0  }
0xa8: {  	s5 =	sshll.u32 s28, $0x1;
	[dreg:$0x2] =	wrdreg s3  }
0xa9: {  	[dreg:$0x3] =	wrdreg s5  }
0xaa: {  	[dreg:$0x4] =	wrdreg $0xC0  }
0xab: {  	_ =	task [dreg:s7], $0x5FFFF  }
0xac: {  	[dreg:$0x1] =	wrdreg $0xFFFFFFFF  }
0xad: {  	[dreg:$0x0] =	wrdreg $0x60  }
0xae: {  	[dreg:$0x2] =	wrdreg s24  }
0xaf: {  	[dreg:$0x3] =	wrdreg s2  }
0xb0: {  	[dreg:$0x4] =	wrdreg $0x9  }
0xb1: {  	_ =	task.clear_ibuf [dreg:s7], $0x5FFFF;
	_ =	strace $0x9000004C  }
0xb2: {  	s29 =	simm.s32 $0x9;
	_ =	strace $0x8000004E  }
0xb3: {  	_ =	swait.ge [sflag:s29], $0x1  }
0xb4: {  	[sflag:s29] =	ssyncadd.s32 $0xFFFFFFFF  }
0xb5: {  	_ =	strace $0x9000004E  }
0xb6: {  	_ =	sfence  }
0xb7: {  	s30 =	sld [smem:$0x0];
	_ =	sdelay $0x2  }
0xb8: {  	s31 =	sshll.u32 s1, $0xD;
	s1 =	sshrl.u32 s1, $0x2  }
0xb9: {  	s3 =	sand.u32 $0x4000, s31;
	s1 =	sadd.s32 s1, s30  }
0xba: {  	s0 =	sor.u32 s3, s0;
	s1 =	sshll.u32 s1, $0x11  }
0xbb: {  	s0 =	sor.u32 s1, s0  }
0xbc: {  	s0 =	sadd.s32 $0x8F2B, s0  }
0xbd: {  	[sflag:s0] =	ssyncadd.remote.s32 $0x1  }
0xbe: {  	_ =	sfence.sel $0xFFFF  }
0xbf: {  	[dreg:$0x0] =	wrdreg $0xFFFFFFFF;
	(pc) =	sbr.abs _section_cstart, $3  }
0xc0: {  	[dreg:$0x1] =	wrdreg $0xFFFFFFFF  }
0xc1: {  	_ =	task.clear_ibuf [dreg:s7], $0x2FFFF;
	_ =	strace $0x9FFFFFFF  }
0xc2: {  	(tm) =	ssettm $0x7FFFFFFF  }
0xc3: {  	_ =	shalt  }
tec
execute0_lowered:
.L_overlay_start_1:
0x0: {  	(tag) =	ssettag $0x1  }
0x1: {  	s1 =	srdreg.scid;
	s0 =	stileid.u32  }
0x2: {  	s8 =	rddreg [dreg:$0x0];
	s6 =	sand.u32 $0x1, s1;
	s30 =	sshll.u32 s0, $0x1  }
0x3: {  	s3 =	rddreg [dreg:$0x1];
	s2 =	simm.s32 $0x0;
	s4 =	sor.u32 s6, s30  }
0x4: {  	[smem:$0x7FF] =	sst s2;
	s9 =	smul.u32 $0xC80, s4  }
0x5: {  	s7 =	simm.s32 $0x1;
	s1 =	rddreg [dreg:$0x2];
	_ =	strace $0x8000004D  }
0x6: {  	s10 =	ssub.s32 $0x2, s6;
	s4 =	sadd.s32 s3, s9;
	s3 =	simm.s32 $0x2  }
0x7: {  	[tilespmem:s2], [sflag:$0x2] =	stream.linear.gather [hbm4b:s4+s2], $0x6400, $0x38;
	[tilespmem:$0xC800] =	vst v63  }
0x8: {  	s5 =	sadd.s32 $0x400, s8;
	s11 =	sshrl.u32 s10, $0x1;
	_ =	swait.ge [sflag:s3], $0x6400  }
0x9: {  	s6 =	simm.s32 $0x6400;
	s31 =	ssub.s32 s10, s11;
	[sflag:s3] =	ssyncset.done $0x0  }
0xa: {  	s8 =	sadd.s32 s9, s8;
	s9 =	smax.u32 s31, $0x1;
	[sflag:s3] =	ssyncadd.s32 $0xFFFF9C00  }
0xb: {  	[tilespmem:s6], [sflag:$0x1] =	stream.indirect.gather [hbm4b:s5+s6], $0x1, s2, s6, $0xb8;
	[tilespmem:$0xC800] =	vst v63  }
0xc: {  	p0 =	sne.s32 s9, $0x1;
	_ =	swait.ge [sflag:s7], $0x6400  }
.Ltmp0:
0xd: {  	[sflag:s7] =	ssyncset.done $0x0;
	(pc) =	sbr.rel @!p0 .LBB2_2-.Ltmp0, $4  }
0xe: {  	s8 =	sadd.s32 $0x200400, s8;
	[sflag:s7] =	ssyncadd.s32 $0xFFFF9C00  }
0xf: {  	[hbm4b:s8+s2] =	stream.linear.scatter [tilespmem:s6], [sflag:$0x2], $0x6400, $0x38;
	[tilespmem:$0xC800] =	vst v63  }
0x10: {  	_ =	swait.ge [sflag:s3], $0x6400  }
0x11: {  	s9 =	sadd.s32 $0xFFFFFFFF, s9;
	[sflag:s3] =	ssyncset.done $0x0  }
.LBB2_1:
0x12: {  	p0 =	sne.s32 s9, $0x1;
	s9 =	sadd.s32 $0xFFFFFFFF, s9;
	[sflag:s3] =	ssyncadd.s32 $0xFFFF9C00  }
0x13: {  	[tilespmem:s2], [sflag:$0x2] =	stream.linear.gather [hbm4b:s4+s2], $0x6400, $0x38;
	[tilespmem:$0xC800] =	vst v63  }
0x14: {  	_ =	swait.ge [sflag:s3], $0x6400  }
0x15: {  	[sflag:s3] =	ssyncset.done $0x0  }
0x16: {  	[sflag:s3] =	ssyncadd.s32 $0xFFFF9C00  }
0x17: {  	[tilespmem:s6], [sflag:$0x1] =	stream.indirect.gather [hbm4b:s5+s6], $0x1, s2, s6, $0xb8;
	[tilespmem:$0xC800] =	vst v63  }
0x18: {  	_ =	swait.ge [sflag:s7], $0x6400  }
.Ltmp1:
0x19: {  	[sflag:s7] =	ssyncset.done $0x0;
	(pc) =	sbr.rel @p0 .LBB2_1-.Ltmp1, $4  }
0x1a: {  	[sflag:s7] =	ssyncadd.s32 $0xFFFF9C00  }
0x1b: {  	[hbm4b:s8+s2] =	stream.linear.scatter [tilespmem:s6], [sflag:$0x2], $0x6400, $0x38;
	[tilespmem:$0xC800] =	vst v63  }
0x1c: {  	_ =	swait.ge [sflag:s3], $0x6400  }
0x1d: {  	[sflag:s3] =	ssyncset.done $0x0  }
.LBB2_2:
0x1e: {  	[sflag:s3] =	ssyncadd.s32 $0xFFFF9C00  }
0x1f: {  	_ =	sfence.sel $0x180000  }
0x20: {  	[bflag:$0x0] =	sbarrier.arrive $0xFFFF  }
0x21: {  	p0 =	sne.s32 s0, $0x0;
	_ =	strace $0x9000004D  }
0x22: {  	s0 =	sadd.s32 @!p0 $0x100000, s1;
	[bflag:$0x2] =	sbarrier.arrive $0xFFFF  }
0x23: {  	[sflag:s0] =	ssyncadd.tile.s32 @!p0 $0x1;
	_ =	shalt  }
.Lfunc_end2:
_tile_overlayer_lowered:
.L_overlay_start_2:
0x24: {  	(tag) =	ssettag $0x2  }
0x25: {  	s0 =	rddreg [dreg:$0x0];
	s2 =	stileid.u32  }
0x26: {  	s1 =	rddreg [dreg:$0x1];
	p0 =	sne.s32 s2, $0x0  }
0x27: {  	s3 =	rddreg [dreg:$0x2];
	[bflag:$0x3] =	sbarrier.arrive $0xFFFF;
	s2 =	simm.s32 @!p0 $0x1C02  }
0x28: {  	[timem:s3], [sflag:s2] =	dma.local @!p0 [hbm:s0], s1  }
0x29: {  	s0 =	simm.s32 @!p0 $0x2  }
0x2a: {  	_ =	swait.ge @!p0 [sflag:s0], s1  }
0x2b: {  	s1 =	ssub.s32 @!p0 $0x0, s1;
	[sflag:s0] =	ssyncset.done @!p0 $0x0  }
0x2c: {  	[sflag:s0] =	ssyncadd.s32 @!p0 s1  }
0x2d: {  	[bflag:$0x3] =	sbarrier.arrive $0xFFFF  }
0x2e: {  	_ =	shalt  }

// kernel: scatter_offload_async_start
scs
__scs_entry_jumppad:
0x0: {  	(pc) =	sbr.rel $0x88, $3  }
0x1: {  	(tag) =	ssettag $0x0;
	lr =	simm.s32 $0x1  }
0x2: {  	[smem:$0x3F9D] =	sst lr;
	_ =	strace $0xD0000000  }
0x3: {  	_ = 	snop  }
0x4: {  	_ = 	snop  }
0x5: {  	_ = 	snop  }
0x6: {  	_ = 	snop  }
0x7: {  	_ = 	snop  }
__scs_overlays_trampoline_lowered:
0x8: {  	[smem:$0x3FAC] =	sst s0  }
0x9: {  	[smem:$0x3FAD] =	sst s1  }
0xa: {  	[smem:$0x3FAE] =	sst s2  }
0xb: {  	[smem:$0x3FAF] =	sst s3  }
0xc: {  	[smem:$0x3FB0] =	sst s4  }
0xd: {  	[smem:$0x3FB1] =	sst s5  }
0xe: {  	[smem:$0x3FB2] =	sst s6  }
0xf: {  	[smem:$0x3FB3] =	sst s7  }
0x10: {  	[smem:$0x3FB4] =	sst s8  }
0x11: {  	[smem:$0x3FB5] =	sst s9;
	s0 =	simm.s32 @!p0 $0x0  }
0x12: {  	s1 =	sld [smem:$0x3F9B];
	s0 =	simm.s32 @p0 $0x1  }
0x13: {  	[smem:$0x3FB6] =	sst s0;
	s0 =	simm.s32 @!p1 $0x0  }
0x14: {  	s2 =	sld [smem:$0x3F9A];
	s0 =	simm.s32 @p1 $0x1  }
0x15: {  	[smem:$0x3FB7] =	sst s0;
	s0 =	simm.s32 @!p2 $0x0  }
0x16: {  	s3 =	sld [smem:$0x3FDB];
	s0 =	simm.s32 @p2 $0x1  }
0x17: {  	s4 =	simm.s32 $0x1BF5;
	[smem:$0x3FB9] =	sst s0  }
0x18: {  	s0 =	sld [smem:$0x3F9C];
	_ =	swait.ge [sflag:s4], $0x0  }
0x19: {  	s7 =	sld [smem:$0x3F9D]  }
0x1a: {  	s8 =	sadd.s32 $0xFFFFE003, lr  }
0x1b: {  	s9 =	sadd.s32 $0xFFFFFEF7, lr;
	s5 =	simm.s32 $0xFFFFFFFF;
	p2 =	slt.u32 s8, $0xFFFFF086  }
0x1c: {  	p1 =	slt.u32 s9, $0xF7A;
	s5 =	simm.s32 @!p2 $0x0  }
0x1d: {  	s5 =	simm.s32 @p1 $0x1;
	p0 =	seq.s32 s7, s2  }
0x1e: {  	s7 =	smul.u32 @!p0 $0xF7A, s2;
	p2 =	seq.s32 @!p0 s5, $0x0  }
0x1f: {  	s9 =	smul.u32 $0xF7A, s1;
	s8 =	simm.s32 @!p0 $0x1BF5;
	p2 =	por !p2, p0  }
0x20: {  	[sflag:s8] =	ssyncset.s32 @!p0 $0xFFFFF086;
	s6 =	sadd.s32 @!p0 s3, s7;
	s7 =	simm.s32 @!p0 $0x108  }
0x21: {  	s3 =	sadd.s32 s3, s9;
	s6 =	sadd.s32 @!p0 $0x88, s6;
	s7 =	simm.s32 @p2 $0x1082  }
0x22: {  	[simem:s7], [sflag:s8] =	dma.local @!p0 [hbm:s6], $0xF7A  }
0x23: {  	s9 =	sor.u32 $0xD0000000, s2;
	s6 =	simm.s32 $0x108;
	_ =	swait.ge @!p0 [sflag:s8], $0x0  }
0x24: {  	s3 =	sadd.s32 $0x88, s3;
	s6 =	simm.s32 @!p1 $0x1082;
	[sflag:s4] =	ssyncset.s32 $0xFFFFF086  }
0x25: {  	[simem:s6], [sflag:s4] =	dma.local [hbm:s3], $0xF7A  }
0x26: {  	[smem:$0x3F9D] =	sst s1;
	(tag) =	ssettag s2;
	_ =	strace s9  }
0x27: {  	s1 =	sld [smem:$0x3FAD]  }
0x28: {  	s2 =	sld [smem:$0x3FAE]  }
0x29: {  	s4 =	sld [smem:$0x3FB0]  }
0x2a: {  	p0 =	seq.s32 s5, $0x0;
	s5 =	sld [smem:$0x3FB1]  }
0x2b: {  	s6 =	sld [smem:$0x3FB2]  }
0x2c: {  	s7 =	sld [smem:$0x3FB3]  }
0x2d: {  	s3 =	simm.s32 $0x108;
	s8 =	sld [smem:$0x3FB4]  }
0x2e: {  	s3 =	simm.s32 @!p0 $0x1082;
	s9 =	sld [smem:$0x3FB5]  }
0x2f: {  	lr =	sadd.s32 s0, s3;
	s0 =	sld [smem:$0x3FAC]  }
0x30: {  	s3 =	sld [smem:$0x3FAF]  }
0x31: {  	[smem:$0x3FB8] =	sst s10  }
0x32: {  	s10 =	sld [smem:$0x3FB6];
	_ =	sdelay $0x3  }
0x33: {  	p0 =	seq.s32 s10, $0x1;
	s10 =	sld [smem:$0x3FB8];
	_ =	sdelay $0x3  }
0x34: {  	[smem:$0x3FB8] =	sst s10  }
0x35: {  	s10 =	sld [smem:$0x3FB7];
	_ =	sdelay $0x3  }
0x36: {  	p1 =	seq.s32 s10, $0x1;
	s10 =	sld [smem:$0x3FB8];
	_ =	sdelay $0x3  }
0x37: {  	[smem:$0x3FB8] =	sst s10  }
0x38: {  	s10 =	sld [smem:$0x3FB9]  }
0x39: {  	_ = 	snop;
	(pc) =	sbr.ind lr, $3  }
0x3a: {  	_ = 	snop  }
0x3b: {  	_ = 	snop  }
0x3c: {  	p2 =	seq.s32 s10, $0x1;
	s10 =	sld [smem:$0x3FB8]  }
0x3d: {  	_ =	shalt  }
0x3e: {  	_ =	shalt  }
0x3f: {  	_ =	shalt  }
0x40: {  	_ =	shalt  }
0x41: {  	_ =	shalt  }
0x42: {  	_ =	shalt  }
0x43: {  	_ =	shalt  }
0x44: {  	_ =	shalt  }
0x45: {  	_ =	shalt  }
0x46: {  	_ =	shalt  }
0x47: {  	_ =	shalt  }
0x48: {  	_ =	shalt  }
0x49: {  	_ =	shalt  }
0x4a: {  	_ =	shalt  }
0x4b: {  	_ =	shalt  }
0x4c: {  	_ =	shalt  }
0x4d: {  	_ =	shalt  }
0x4e: {  	_ =	shalt  }
0x4f: {  	_ =	shalt  }
0x50: {  	_ =	shalt  }
0x51: {  	_ =	shalt  }
0x52: {  	_ =	shalt  }
0x53: {  	_ =	shalt  }
0x54: {  	_ =	shalt  }
0x55: {  	_ =	shalt  }
0x56: {  	_ =	shalt  }
0x57: {  	_ =	shalt  }
0x58: {  	_ =	shalt  }
0x59: {  	_ =	shalt  }
0x5a: {  	_ =	shalt  }
0x5b: {  	_ =	shalt  }
0x5c: {  	_ =	shalt  }
0x5d: {  	_ =	shalt  }
0x5e: {  	_ =	shalt  }
0x5f: {  	_ =	shalt  }
0x60: {  	_ =	shalt  }
0x61: {  	_ =	shalt  }
0x62: {  	_ =	shalt  }
0x63: {  	_ =	shalt  }
0x64: {  	_ =	shalt  }
0x65: {  	_ =	shalt  }
0x66: {  	_ =	shalt  }
0x67: {  	_ =	shalt  }
0x68: {  	_ =	shalt  }
0x69: {  	_ =	shalt  }
0x6a: {  	_ =	shalt  }
0x6b: {  	_ =	shalt  }
0x6c: {  	_ =	shalt  }
0x6d: {  	_ =	shalt  }
0x6e: {  	_ =	shalt  }
0x6f: {  	_ =	shalt  }
0x70: {  	_ =	shalt  }
0x71: {  	_ =	shalt  }
0x72: {  	_ =	shalt  }
0x73: {  	_ =	shalt  }
0x74: {  	_ =	shalt  }
0x75: {  	_ =	shalt  }
0x76: {  	_ =	shalt  }
0x77: {  	_ =	shalt  }
0x78: {  	_ =	shalt  }
0x79: {  	_ =	shalt  }
0x7a: {  	_ =	shalt  }
0x7b: {  	_ =	shalt  }
0x7c: {  	_ =	shalt  }
0x7d: {  	_ =	shalt  }
0x7e: {  	_ =	shalt  }
0x7f: {  	_ =	shalt  }
0x80: {  	_ =	shalt  }
0x81: {  	_ =	shalt  }
0x82: {  	_ =	shalt  }
0x83: {  	_ =	shalt  }
0x84: {  	_ =	shalt  }
0x85: {  	_ =	shalt  }
0x86: {  	_ =	shalt  }
0x87: {  	_ =	shalt  }
.Lfunc_end0:
.L_simem_size_0:
called_computation_lowered:
.L_overlay_start_0:
0x88: {  	s0 =	sld [smem:$0x3FD9]  }
0x89: {  	s1 =	sld [smem:$0x3FFE];
	_ =	sdelay $0x3  }
0x8a: {  	s0 =	sadd.s32 s1, s0  }
0x8b: {  	[smem:$0x3FC4] =	sst s0  }
0x8c: {  	_ = 	snop  }
0x8d: {  	s0 =	sld [smem:$0x3FD0];
	(tm) =	ssettm $0x1  }
0x8e: {  	s16 =	sld [smem:$0x3FFB];
	_ =	sdelay $0x3  }
0x8f: {  	_ =	strace s16  }
0x90: {  	s1 =	sld [smem:$0x3FFC];
	_ =	sdelay $0x3  }
0x91: {  	_ =	strace s1  }
0x92: {  	s1 =	sld [smem:$0x3FFD];
	_ =	sdelay $0x3  }
0x93: {  	_ =	strace s1  }
0x94: {  	_ =	strace $0x8FFFFFFF  }
0x95: {  	s17 =	sld [smem:$0x3FDB];
	_ =	sdelay $0x1  }
0x96: {  	s2 =	simm.s32 $_scs_section_size  }
0x97: {  	s3 =	simm.s32 $_size__tile_overlayer_lowered;
	s4 =	simm.s32 $_tile_overlayer_lowered  }
0x98: {  	s20 =	simm.s32 $0x1BFF;
	s19 =	sshll.u32 s4, $0x1;
	s1 =	sadd.s32 s2, s17  }
0x99: {  	s5 =	simm.s32 $0x0;
	s18 =	sshll.u32 s3, $0x1;
	s3 =	sadd.s32 s19, s1  }
0x9a: {  	[timem:s5], [sflag:s20] =	dma.local [hbm:s3], s18  }
0x9b: {  	_ =	swait.ge [sflag:s20], s18  }
0x9c: {  	s2 =	ssub.s32 $0x0, s18;
	[sflag:s20] =	ssyncset.done $0x0  }
0x9d: {  	[sflag:s20] =	ssyncadd.s32 s2;
	_ =	sdelay $0x1  }
0x9e: {  	s21 =	simm.s32 $0x1B8B  }
0x9f: {  	_ =	swait.ge [sflag:s21], $0x1  }
0xa0: {  	[sflag:s21] =	ssyncset.done $0x0  }
0xa1: {  	s23 =	simm.s32 $0x1B8E;
	s22 =	sld [smem:$0x3FFE];
	[sflag:s21] =	ssyncadd.s32 $0xFFFFFFFF  }
0xa2: {  	s24 =	simm.s32 $execute0_lowered;
	[smem:$0x3FD2] =	sst s23  }
0xa3: {  	s3 =	sshll.u32 s24, $0x1;
	_ =	strace $0x80000046;
	[dreg:$0x1] =	wrdreg $0xFFFFFFFF  }
0xa4: {  	s25 =	simm.s32 $_size_execute0_lowered;
	s1 =	sadd.s32 s1, s3;
	[dreg:$0x0] =	wrdreg $0x0  }
0xa5: {  	s3 =	sshll.u32 s25, $0x1;
	[dreg:$0x2] =	wrdreg s1  }
0xa6: {  	[dreg:$0x3] =	wrdreg s3  }
0xa7: {  	[dreg:$0x4] =	wrdreg $0xC0  }
0xa8: {  	_ =	task [dreg:s5], $0x5FFFF  }
0xa9: {  	[dreg:$0x1] =	wrdreg $0xFFFFFFFF  }
0xaa: {  	[dreg:$0x0] =	wrdreg $0x60  }
0xab: {  	[dreg:$0x2] =	wrdreg s22  }
0xac: {  	[dreg:$0x3] =	wrdreg s0  }
0xad: {  	[dreg:$0x4] =	wrdreg $0x9  }
0xae: {  	_ =	task.clear_ibuf [dreg:s5], $0x5FFFF;
	_ =	strace $0x90000046  }
0xaf: {  	s26 =	simm.s32 $0x9;
	_ =	strace $0x80000048  }
0xb0: {  	_ =	swait.ge [sflag:s26], $0x1  }
0xb1: {  	[sflag:s26] =	ssyncadd.s32 $0xFFFFFFFF  }
0xb2: {  	_ =	strace $0x90000048  }
0xb3: {  	_ =	sfence  }
0xb4: {  	s28 =	sld [smem:$0x0];
	_ =	sdelay $0x1  }
0xb5: {  	s29 =	srdreg.scid  }
0xb6: {  	s30 =	sshll.u32 s29, $0xD;
	s31 =	sshrl.u32 s29, $0x2  }
0xb7: {  	s2 =	sand.u32 $0x4000, s30;
	s1 =	sand.u32 $0x1, s29;
	s0 =	sadd.s32 s31, s28  }
0xb8: {  	s1 =	sor.u32 s2, s1;
	s0 =	sshll.u32 s0, $0x11  }
0xb9: {  	s0 =	sor.u32 s0, s1  }
0xba: {  	s0 =	sadd.s32 $0x8F2B, s0  }
0xbb: {  	[sflag:s0] =	ssyncadd.remote.s32 $0x1  }
0xbc: {  	_ =	sfence.sel $0xFFFF  }
0xbd: {  	[dreg:$0x0] =	wrdreg $0xFFFFFFFF;
	(pc) =	sbr.abs _section_cstart, $3  }
0xbe: {  	[dreg:$0x1] =	wrdreg $0xFFFFFFFF  }
0xbf: {  	_ =	task.clear_ibuf [dreg:s5], $0x2FFFF;
	_ =	strace $0x9FFFFFFF  }
0xc0: {  	(tm) =	ssettm $0x7FFFFFFF  }
0xc1: {  	_ =	shalt  }
tec
execute0_lowered:
.L_overlay_start_1:
0x0: {  	(tag) =	ssettag $0x1  }
0x1: {  	s2 =	rddreg [dreg:$0x0]  }
0x2: {  	s3 =	rddreg [dreg:$0x1]  }
0x3: {  	s0 =	rddreg [dreg:$0x2];
	_ =	strace $0x80000047;
	s4 =	stileid.u32  }
0x4: {  	s5 =	simm.s32 $0x3E;
	s1 =	sadd.s32 $0x200400, s2;
	p0 =	sne.s32 s4, $0x0  }
0x5: {  	[sflag:s5] =	ssyncpa.u1 $0x0;
	s6 =	simm.s32 @!p0 $0x1C3E;
	s7 =	simm.s32 @!p0 $0x0  }
0x6: {  	[spmem:s7], [sflag:s6] =	dma.local @!p0 [hbm:s1], $0x10  }
0x7: {  	s6 =	simm.s32 @!p0 $0x3E  }
0x8: {  	_ =	swait.ge @!p0 [sflag:s6], $0x10  }
0x9: {  	[sflag:s6] =	ssyncset.done @!p0 $0x0  }
0xa: {  	[sflag:s6] =	ssyncadd.s32 @!p0 $0xFFFFFFF0  }
0xb: {  	s28 =	simm.s32 $0x1;
	s29 =	simm.s32 $0x2;
	[bflag:$0x0] =	sbarrier.arrive $0xFFFF  }
0xc: {  	s31 =	simm.s32 $0x808;
	s30 =	sadd.s32 $0x200600, s2;
	[sflag:s5] =	ssyncpa.u1 $0x1  }
0xd: {  	s4 =	sshll.u32 s4, $0x8;
	s2 =	simm.s32 $0x0;
	[sflag:s28] =	ssyncpa.u1 $0x0  }
0xe: {  	s3 =	sadd.s32 s3, s4;
	(ifvalue) =	ssetifvalue $0x80;
	[sflag:s29] =	ssyncpa.u1 $0x0  }
0xf: {  	[tilespmem:s31], [sflag:$0x2] =	stream.linear.gather [hbm4b:s3+s2], $0x800, $0x38;
	[tilespmem:$0x2008] =	vst v63  }
0x10: {  	s4 =	sadd.s32 s30, s4;
	s3 =	simm.s32 $0x1808  }
0x11: {  	[tilespmem:s3], [sflag:$0x2] =	stream.linear.gather [hbm4b:s4+s2], $0x800, $0x38;
	[tilespmem:$0x2008] =	vst v63  }
0x12: {  	_ =	swait.ge [sflag:s29], $0x1000  }
0x13: {  	[sflag:s29] =	ssyncset.done $0x0  }
0x14: {  	[sflag:s29] =	ssyncadd.s32 $0xFFFFF000  }
0x15: {  	v0 =	vld.msk [tilespmem:s31+$0x0 ss:$0x1], $0xffff;
	_ =	sdelay $0x4  }
0x16: {  	v0 =	vmin.u32 v0, $0x80;
	_ =	sdelay $0x3  }
0x17: {  	vm0 =	vmmov $0xffff;
	s5 =	simm.s32 $0x818;
	s4 =	simm.s32 $0x0  }
0x18: {  	[spmem:s2] =	stream.indirect_vreg.scatter.add.s32 [tilespmem:s3], [sflag:$0x1], $0x1, v0, vm0, $0x4038;
	[tilespmem:$0x2008] =	vst v63  }
.LBB2_1:
0x19: {  	v0 =	vld.msk [tilespmem:s5+$0x0 ss:$0x1], $0xffff;
	s4 =	sadd.s32 $0x10, s4  }
0x1a: {  	p1 =	slt.u32 s4, $0x7F0;
	_ =	sdelay $0x4  }
0x1b: {  	v0 =	vmin.u32 v0, $0x80  }
.Ltmp0:
0x1c: {  	(pc) =	sbr.rel @p1 .LBB2_1-.Ltmp0, $3  }
0x1d: {  	_ =	sdelay $0x1  }
0x1e: {  	s5 =	sadd.s32 $0x10, s5;
	s3 =	sadd.s32 $0x10, s3  }
0x1f: {  	[spmem:s2] =	stream.indirect_vreg.scatter.add.s32 [tilespmem:s3], [sflag:$0x1], $0x1, v0, vm0, $0x4038;
	[tilespmem:$0x2008] =	vst v63  }
0x20: {  	s2 =	simm.s32 $0x1  }
0x21: {  	_ =	swait.ge [sflag:s2], $0x800  }
0x22: {  	[sflag:s2] =	ssyncset.done $0x0  }
0x23: {  	[sflag:s2] =	ssyncadd.s32 $0xFFFFF800  }
0x24: {  	_ =	sfence.sel $0x180000  }
0x25: {  	s3 =	simm.s32 $0x2;
	[bflag:$0x0] =	sbarrier.arrive $0xFFFF  }
0x26: {  	[sflag:s3] =	ssyncpa.u1 $0x1  }
0x27: {  	[sflag:s2] =	ssyncpa.u1 $0x1  }
0x28: {  	_ =	sfence.stream.spmem  }
0x29: {  	s31 =	simm.s32 $0x3D;
	[bflag:$0x0] =	sbarrier.arrive $0xFFFF  }
0x2a: {  	s2 =	simm.s32 @p0 $0x3D;
	[sflag:s31] =	ssyncpa.u1 $0x0  }
0x2b: {  	[sflag:s2] =	ssyncpa.u1 @p0 $0x1  }
0x2c: {  	[bflag:$0x0] =	sbarrier.arrive @p0 $0xFFFF  }
0x2d: {  	_ =	strace @p0 $0x90000047  }
0x2e: {  	s3 =	simm.s32 @!p0 $0x1C3D;
	s2 =	simm.s32 @!p0 $0x0;
	[bflag:$0x2] =	sbarrier.arrive @p0 $0xFFFF  }
0x2f: {  	[hbm:s1], [sflag:s3] =	dma.local @!p0 [spmem:s2], $0x10  }
0x30: {  	s1 =	simm.s32 @!p0 $0x3D  }
0x31: {  	_ =	swait.ge @!p0 [sflag:s1], $0x10  }
0x32: {  	[sflag:s1] =	ssyncset.done @!p0 $0x0  }
0x33: {  	[sflag:s1] =	ssyncadd.s32 @!p0 $0xFFFFFFF0  }
0x34: {  	[sflag:s1] =	ssyncpa.u1 @!p0 $0x1  }
0x35: {  	[bflag:$0x0] =	sbarrier.arrive @!p0 $0xFFFF  }
0x36: {  	_ =	strace @!p0 $0x90000047  }
0x37: {  	s0 =	sadd.s32 @!p0 $0x100000, s0;
	[bflag:$0x2] =	sbarrier.arrive @!p0 $0xFFFF  }
0x38: {  	[sflag:s0] =	ssyncadd.tile.s32 @!p0 $0x1;
	_ =	shalt  }
.Lfunc_end2:
_tile_overlayer_lowered:
.L_overlay_start_2:
0x39: {  	(tag) =	ssettag $0x2  }
0x3a: {  	s0 =	rddreg [dreg:$0x0];
	s2 =	stileid.u32  }
0x3b: {  	s1 =	rddreg [dreg:$0x1];
	p0 =	sne.s32 s2, $0x0  }
0x3c: {  	s3 =	rddreg [dreg:$0x2];
	[bflag:$0x3] =	sbarrier.arrive $0xFFFF;
	s2 =	simm.s32 @!p0 $0x1C01  }
0x3d: {  	[timem:s3], [sflag:s2] =	dma.local @!p0 [hbm:s0], s1  }
0x3e: {  	s0 =	simm.s32 @!p0 $0x1  }
0x3f: {  	_ =	swait.ge @!p0 [sflag:s0], s1  }
0x40: {  	s1 =	ssub.s32 @!p0 $0x0, s1;
	[sflag:s0] =	ssyncset.done @!p0 $0x0  }
0x41: {  	[sflag:s0] =	ssyncadd.s32 @!p0 s1  }
0x42: {  	[bflag:$0x3] =	sbarrier.arrive $0xFFFF  }
0x43: {  	_ =	shalt  }

// kernel: sparse-core-data-format-call.cloned.1.call-start
scs
called_computation.1_lowered:
.L_overlay_start_0:
0x0: {  	s2 =	sld [smem:$0x3FD9]  }
0x1: {  	s3 =	sld [smem:$0x3FFE];
	_ =	sdelay $0x1  }
0x2: {  	s1 =	srdreg.scid  }
0x3: {  	s0 =	sand.u32 $0x1, s1  }
0x4: {  	s18 =	sshll.u32 s0, $0xA;
	s2 =	sadd.s32 s3, s2  }
0x5: {  	s2 =	sadd.s32 s2, s18  }
0x6: {  	[smem:$0x3FC4] =	sst s2  }
0x7: {  	_ = 	snop  }
0x8: {  	(tm) =	ssettm $0x1  }
0x9: {  	s19 =	sld [smem:$0x3FFB];
	_ =	sdelay $0x3  }
0xa: {  	_ =	strace s19  }
0xb: {  	s2 =	sld [smem:$0x3FFC];
	_ =	sdelay $0x3  }
0xc: {  	_ =	strace s2  }
0xd: {  	s2 =	sld [smem:$0x3FFD];
	_ =	sdelay $0x3  }
0xe: {  	_ =	strace s2  }
0xf: {  	_ =	strace $0x8FFFFFFF  }
0x10: {  	s20 =	sld [smem:$0x3FDB];
	_ =	sdelay $0x1  }
0x11: {  	s21 =	simm.s32 $_scs_section_size  }
0x12: {  	s4 =	simm.s32 $_size__tile_overlayer_lowered;
	s5 =	simm.s32 $_tile_overlayer_lowered  }
0x13: {  	s6 =	simm.s32 $0x1BFF;
	s22 =	sshll.u32 s5, $0x1;
	s3 =	sadd.s32 s21, s20  }
0x14: {  	s23 =	simm.s32 $0x0;
	s4 =	sshll.u32 s4, $0x1;
	s5 =	sadd.s32 s22, s3  }
0x15: {  	[timem:s23], [sflag:s6] =	dma.local [hbm:s5], s4  }
0x16: {  	_ =	swait.ge [sflag:s6], s4  }
0x17: {  	s4 =	ssub.s32 $0x0, s4;
	[sflag:s6] =	ssyncset.done $0x0  }
0x18: {  	[sflag:s6] =	ssyncadd.s32 s4;
	_ =	sdelay $0x1  }
0x19: {  	s24 =	simm.s32 $0x1B8B  }
0x1a: {  	_ =	swait.ge [sflag:s24], $0x1  }
0x1b: {  	[sflag:s24] =	ssyncset.done $0x0  }
0x1c: {  	[sflag:s24] =	ssyncadd.s32 $0xFFFFFFFF  }
0x1d: {  	s4 =	sld [smem:$0x0]  }
0x1e: {  	s5 =	sand.u32 $0xFFFFFFFE, s1  }
0x1f: {  	p0 =	sne.s32 s1, s5  }
0x20: {  	s5 =	sshll.u32 @p0 s5, $0xE  }
0x21: {  	s5 =	sadd.s32 @p0 $0x11B8D, s5;
	s6 =	sshll.u32 @p0 s4, $0x11  }
0x22: {  	s5 =	sor.u32 @p0 s6, s5  }
0x23: {  	[sflag:s5] =	ssyncadd.remote.s32 @p0 $0x1;
	_ =	sdelay $0x1  }
0x24: {  	s5 =	simm.s32 @p0 $0x1B8D  }
0x25: {  	_ =	swait.eq @p0 [sflag:s5], $0x1  }
0x26: {  	[sflag:s5] =	ssyncadd.s32 @p0 $0xFFFFFFFF  }
0x27: {  	s6 =	sshll.u32 @!p0 s1, $0xE  }
0x28: {  	s6 =	sor.u32 @!p0 $0x4000, s6;
	s5 =	simm.s32 @!p0 $0x1B8D  }
0x29: {  	s4 =	sshll.u32 @!p0 s4, $0x11;
	s6 =	sadd.s32 @!p0 $0x11B8D, s6;
	_ =	swait.eq @!p0 [sflag:s5], $0x1  }
0x2a: {  	s4 =	sor.u32 @!p0 s4, s6;
	[sflag:s5] =	ssyncadd.s32 @!p0 $0xFFFFFFFF  }
0x2b: {  	s26 =	simm.s32 $0x1B8E;
	s25 =	sld [smem:$0x3FFE];
	[sflag:s4] =	ssyncadd.remote.s32 @!p0 $0x1  }
0x2c: {  	s27 =	simm.s32 $execute0_lowered;
	[smem:$0x3FD2] =	sst s26  }
0x2d: {  	s5 =	sshll.u32 s27, $0x1;
	_ =	strace $0x80000049;
	[dreg:$0x1] =	wrdreg $0xFFFFFFFF  }
0x2e: {  	s28 =	simm.s32 $_size_execute0_lowered;
	s3 =	sadd.s32 s3, s5;
	[dreg:$0x0] =	wrdreg $0x0  }
0x2f: {  	s5 =	sshll.u32 s28, $0x1;
	[dreg:$0x2] =	wrdreg s3  }
0x30: {  	[dreg:$0x3] =	wrdreg s5  }
0x31: {  	[dreg:$0x4] =	wrdreg $0xC0  }
0x32: {  	_ =	task [dreg:s23], $0x5FFFF  }
0x33: {  	[dreg:$0x1] =	wrdreg $0xFFFFFFFF  }
0x34: {  	[dreg:$0x0] =	wrdreg $0x60  }
0x35: {  	[dreg:$0x2] =	wrdreg s25  }
0x36: {  	[dreg:$0x3] =	wrdreg $0xA  }
0x37: {  	_ =	task.clear_ibuf [dreg:s23], $0x4FFFF;
	_ =	strace $0x90000049  }
0x38: {  	s29 =	simm.s32 $0xA;
	_ =	strace $0x8000004B  }
0x39: {  	_ =	swait.ge [sflag:s29], $0x1  }
0x3a: {  	[sflag:s29] =	ssyncadd.s32 $0xFFFFFFFF  }
0x3b: {  	_ =	strace $0x9000004B  }
0x3c: {  	_ =	sfence  }
0x3d: {  	s30 =	sld [smem:$0x0];
	_ =	sdelay $0x2  }
0x3e: {  	s31 =	sshll.u32 s1, $0xD;
	s1 =	sshrl.u32 s1, $0x2  }
0x3f: {  	s4 =	sand.u32 $0x4000, s31;
	s1 =	sadd.s32 s1, s30  }
0x40: {  	s0 =	sor.u32 s4, s0;
	s1 =	sshll.u32 s1, $0x11  }
0x41: {  	s0 =	sor.u32 s1, s0  }
0x42: {  	s0 =	sadd.s32 $0x8F2B, s0  }
0x43: {  	[sflag:s0] =	ssyncadd.remote.s32 $0x1  }
0x44: {  	_ =	sfence.sel $0xFFFF  }
0x45: {  	[dreg:$0x0] =	wrdreg $0xFFFFFFFF;
	(pc) =	sbr.abs _section_cstart, $3  }
0x46: {  	[dreg:$0x1] =	wrdreg $0xFFFFFFFF  }
0x47: {  	_ =	task.clear_ibuf [dreg:s23], $0x2FFFF;
	_ =	strace $0x9FFFFFFF  }
0x48: {  	(tm) =	ssettm $0x7FFFFFFF  }
0x49: {  	_ =	shalt  }
tec
execute0_lowered:
.L_overlay_start_1:
0x0: {  	(tag) =	ssettag $0x1  }
0x1: {  	s1 =	rddreg [dreg:$0x0]  }
0x2: {  	s0 =	rddreg [dreg:$0x1]  }
0x3: {  	_ =	strace $0x8000004A;
	s4 =	srdreg.scid;
	s6 =	simm.s32 $0x2  }
0x4: {  	s11 =	simm.s32 $0x0;
	p0 =	por $0x0, $0x0;
	s7 =	simm.s32 $0x8000  }
.Ltmp0:
0x5: {  	s12 =	simm.s32 $0x0;
	s9 =	simm.s32 $0x0;
	(pc) =	sbr.rel .LBB1_1-.Ltmp0, $4  }
0x6: {  	s2 =	sadd.s32 $0x400, s1;
	s3 =	sadd.s32 $0x201600, s1;
	s5 =	sshll.u32 s4, $0x4  }
0x7: {  	s1 =	stileid.u32;
	s4 =	simm.s32 $0x1;
	s5 =	sand.u32 $0x10, s5  }
0x8: {  	s8 =	simm.s32 $0x0;
	[sflag:s4] =	ssyncpa.u1 $0x0;
	s5 =	sor.u32 s1, s5  }
0x9: {  	[sflag:s6] =	ssyncpa.u1 $0x0;
	s6 =	simm.s32 $0x800;
	s10 =	smov.u32 s5  }
.LBB1_7:
0xa: {  	s13 =	sadd.s32 $0x10, s9  }
0xb: {  	s11 =	sadd.s32 $0x20, s10;
	s15 =	smov.u32 s10;
	p2 =	sgt.s32 s13, $0xFF  }
0xc: {  	p1 =	slt.u32 s8, $0x2;
	s15 =	smov.u32 @p2 s11  }
0xd: {  	s8 =	sadd.s32 $0x1, s8;
	s13 =	simm.s32 @p2 $0x0;
	p2 =	sgt.s32 s15, $0x3F  }
0xe: {  	s15 =	smov.u32 @p2 s5;
	p2 =	sne.s32 s8, $0x22  }
.Ltmp1:
0xf: {  	_ = 	snop;
	(pc) =	sbr.rel @!p2 .LBB1_8-.Ltmp1, $4  }
0x10: {  	s14 =	simm.s32 @!p1 $0x2  }
0x11: {  	s12 =	smov.u32 s10;
	_ =	swait.ge @!p1 [sflag:s14], $0x4000  }
0x12: {  	p0 =	por !p0, !p0;
	s11 =	smov.u32 s9;
	[sflag:s14] =	ssyncset.done @!p1 $0x0  }
0x13: {  	s9 =	smov.u32 s13;
	[sflag:s14] =	ssyncadd.s32 @!p1 $0xFFFFC000;
	s10 =	smov.u32 s15  }
.LBB1_1:
0x14: {  	p1 =	sgt.u32 s8, $0x1F  }
0x15: {  	s13 =	sxor.u32 @!p1 $0xFFFFFFFF, s8;
	s14 =	sshll.u32 @!p1 s10, $0xF  }
0x16: {  	s15 =	sshll.u32 @!p1 s9, $0x7;
	s13 =	sshll.u32 @!p1 s13, $0xE;
	s14 =	sadd.s32 @!p1 s2, s14  }
0x17: {  	s13 =	sand.u32 @!p1 $0x4000, s13;
	s14 =	sadd.s32 @!p1 s15, s14;
	s15 =	simm.s32 @!p1 $0x0  }
0x18: {  	[tilespmem:s13], [sflag:$0x1] =	stream.linear.gather @!p1 [hbm4b:s14+s15], $0x4000, $0x38;
	[tilespmem:$0x10000] =	vst v63  }
0x19: {  	p1 =	seq.s32 s8, $0x0  }
0x1a: {  	p2 =	seq.s32 @!p1 s8, $0x21  }
0x1b: {  	p1 =	por p1, p2  }
.Ltmp2:
0x1c: {  	_ = 	snop;
	(pc) =	sbr.rel @p1 .LBB1_7-.Ltmp2, $1  }
0x1d: {  	_ =	sdelay $0x3  }
0x1e: {  	s13 =	simm.s32 $0x1;
	_ =	swait.ge [sflag:s4], $0x4000;
	s16 =	sshll.u32 s8, $0xE  }
0x1f: {  	s13 =	simm.s32 @!p0 $0x0;
	[sflag:s4] =	ssyncset.done $0x0;
	s31 =	sand.u32 $0x4000, s16  }
0x20: {  	s16 =	simm.s32 $0x0;
	s14 =	sshll.u32 s13, $0xE;
	[sflag:s4] =	ssyncadd.s32 $0xFFFFC000  }
0x21: {  	s13 =	sor.u32 $0x8040, s14;
	s15 =	sor.u32 $0x40, s14;
	s14 =	sor.u32 $0x8000, s31  }
.LBB1_3:
0x22: {  	v0 =	vmov s15;
	_ =	sdelay $0x3  }
0x23: {  	s18 =	simm.s32 $0x0  }
0x24: {  	v6 =	vld.idx.msk [tilespmem:v0+s18+$0x30 ss:$0x1], $0xffff  }
0x25: {  	v7 =	vld.idx.msk [tilespmem:v0+s18+$0xFFFFFFC0 ss:$0x1], $0xffff  }
0x26: {  	v5 =	vld.idx.msk [tilespmem:v0+s18+$0xFFFFFFD0 ss:$0x1], $0xffff  }
0x27: {  	v4 =	vld.idx.msk [tilespmem:v0+s18+$0xFFFFFFE0 ss:$0x1], $0xffff  }
0x28: {  	v3 =	vld.idx.msk [tilespmem:v0+s18+$0xFFFFFFF0 ss:$0x1], $0xffff  }
0x29: {  	v1 =	vld.idx.msk [tilespmem:v0+s18+$0x0 ss:$0x1], $0xffff  }
0x2a: {  	v2 =	vld.idx.msk [tilespmem:v0+s18+$0x10 ss:$0x1], $0xffff;
	[tilespmem:s13+$0x30] =	vst v6  }
0x2b: {  	s17 =	simm.s32 $0x80;
	s19 =	simm.s32 $0x400;
	[tilespmem:s13+$0xFFFFFFC0] =	vst v7;
	v6 =	vld.idx.msk [tilespmem:v0+s18+$0x20 ss:$0x1], $0xffff;
	s18 =	smov.u32 s13  }
.LBB1_4:
0x2c: {  	p1 =	sne.s32 s19, $0xE00;
	v7 =	vld.idx.msk [tilespmem:v0+s17+$0x30 ss:$0x1], $0xffff;
	[tilespmem:s18+$0xFFFFFFD0] =	vst v5  }
0x2d: {  	v8 =	vld.idx.msk [tilespmem:v0+s17+$0xFFFFFFC0 ss:$0x1], $0xffff;
	[tilespmem:s18+$0xFFFFFFE0] =	vst v4  }
0x2e: {  	v5 =	vld.idx.msk [tilespmem:v0+s17+$0xFFFFFFD0 ss:$0x1], $0xffff;
	[tilespmem:s18+$0xFFFFFFF0] =	vst v3  }
.Ltmp3:
0x2f: {  	v4 =	vld.idx.msk [tilespmem:v0+s17+$0xFFFFFFE0 ss:$0x1], $0xffff;
	[tilespmem:s18+$0x0] =	vst v1;
	(pc) =	sbr.rel @p1 .LBB1_4-.Ltmp3, $4  }
0x30: {  	v3 =	vld.idx.msk [tilespmem:v0+s17+$0xFFFFFFF0 ss:$0x1], $0xffff;
	[tilespmem:s18+$0x10] =	vst v2  }
0x31: {  	v1 =	vld.idx.msk [tilespmem:v0+s17+$0x0 ss:$0x1], $0xffff;
	[tilespmem:s18+$0x20] =	vst v6;
	s18 =	sadd.s32 $0x800, s18  }
0x32: {  	v2 =	vld.idx.msk [tilespmem:v0+s17+$0x10 ss:$0x1], $0xffff;
	[tilespmem:s18+$0x30] =	vst v7  }
0x33: {  	[tilespmem:s18+$0xFFFFFFC0] =	vst v8;
	v6 =	vld.idx.msk [tilespmem:v0+s17+$0x20 ss:$0x1], $0xffff;
	s17 =	sshra.s32 s19, $0x2;
	s19 =	sadd.s32 $0x200, s19  }
0x34: {  	_ =	sdelay $0x2  }
0x35: {  	[tilespmem:s18+$0xFFFFFFD0] =	vst v5  }
0x36: {  	v56 =	vld.idx.msk [tilespmem:v0+s17+$0x30 ss:$0x1], $0xffff;
	[tilespmem:s18+$0xFFFFFFE0] =	vst v4  }
0x37: {  	v57 =	vld.idx.msk [tilespmem:v0+s17+$0xFFFFFFC0 ss:$0x1], $0xffff;
	[tilespmem:s18+$0xFFFFFFF0] =	vst v3  }
0x38: {  	v58 =	vld.idx.msk [tilespmem:v0+s17+$0xFFFFFFD0 ss:$0x1], $0xffff;
	[tilespmem:s18+$0x0] =	vst v1  }
0x39: {  	v59 =	vld.idx.msk [tilespmem:v0+s17+$0xFFFFFFE0 ss:$0x1], $0xffff;
	[tilespmem:s18+$0x10] =	vst v2  }
0x3a: {  	v60 =	vld.idx.msk [tilespmem:v0+s17+$0xFFFFFFF0 ss:$0x1], $0xffff;
	s31 =	sadd.s32 $0x800, s18;
	[tilespmem:s18+$0x20] =	vst v6  }
0x3b: {  	v61 =	vld.idx.msk [tilespmem:v0+s17+$0x0 ss:$0x1], $0xffff;
	[tilespmem:s31+$0x30] =	vst v56  }
0x3c: {  	v62 =	vld.idx.msk [tilespmem:v0+s17+$0x10 ss:$0x1], $0xffff;
	s16 =	sadd.s32 $0x1, s16;
	[tilespmem:s31+$0xFFFFFFC0] =	vst v57  }
0x3d: {  	v63 =	vld.idx.msk [tilespmem:v0+s17+$0x20 ss:$0x1], $0xffff;
	p1 =	sne.s32 s16, $0x10;
	[tilespmem:s31+$0xFFFFFFD0] =	vst v58  }
.Ltmp4:
0x3e: {  	[tilespmem:s31+$0xFFFFFFE0] =	vst v59;
	(pc) =	sbr.rel @p1 .LBB1_3-.Ltmp4, $4  }
0x3f: {  	[tilespmem:s31+$0xFFFFFFF0] =	vst v60  }
0x40: {  	[tilespmem:s31+$0x0] =	vst v61  }
0x41: {  	[tilespmem:s31+$0x10] =	vst v62  }
0x42: {  	s13 =	sadd.s32 $0x80, s13;
	s15 =	sadd.s32 $0x400, s15;
	[tilespmem:s31+$0x20] =	vst v63  }
.Ltmp5:
0x43: {  	(pc) =	sbr.rel .LBB1_7-.Ltmp5, $4  }
0x44: {  	s12 =	sshll.u32 s12, $0xF;
	s11 =	sshll.u32 s11, $0x4  }
0x45: {  	s11 =	sand.u32 $0xFF0, s11;
	s12 =	sadd.s32 s3, s12  }
0x46: {  	s11 =	sadd.s32 s11, s12  }
0x47: {  	[hbm4b:s11+s6] =	stream.strided.scatter [tilespmem:s14], [sflag:$0x2], $0x4000, s7, s6, $0x38;
	[tilespmem:$0x10000] =	vst v63  }
.LBB1_8:
0x48: {  	_ =	sfence.sel $0x180000  }
0x49: {  	s2 =	simm.s32 $0x1;
	[bflag:$0x0] =	sbarrier.arrive $0xFFFF  }
0x4a: {  	s31 =	simm.s32 $0x2;
	[sflag:s2] =	ssyncpa.u1 $0x1  }
0x4b: {  	[sflag:s31] =	ssyncpa.u1 $0x1  }
0x4c: {  	p0 =	sne.s32 s1, $0x0;
	_ =	strace $0x9000004A  }
0x4d: {  	s0 =	sadd.s32 @!p0 $0x100000, s0;
	[bflag:$0x2] =	sbarrier.arrive $0xFFFF  }
0x4e: {  	[sflag:s0] =	ssyncadd.tile.s32 @!p0 $0x1;
	_ =	shalt  }
.Lfunc_end1:
_tile_overlayer_lowered:
.L_overlay_start_2:
0x4f: {  	(tag) =	ssettag $0x2  }
0x50: {  	s0 =	rddreg [dreg:$0x0];
	s2 =	stileid.u32  }
0x51: {  	s1 =	rddreg [dreg:$0x1];
	p0 =	sne.s32 s2, $0x0  }
0x52: {  	s3 =	rddreg [dreg:$0x2];
	[bflag:$0x3] =	sbarrier.arrive $0xFFFF;
	s2 =	simm.s32 @!p0 $0x1C01  }
0x53: {  	[timem:s3], [sflag:s2] =	dma.local @!p0 [hbm:s0], s1  }
0x54: {  	s0 =	simm.s32 @!p0 $0x1  }
0x55: {  	_ =	swait.ge @!p0 [sflag:s0], s1  }
0x56: {  	s1 =	ssub.s32 @!p0 $0x0, s1;
	[sflag:s0] =	ssyncset.done @!p0 $0x0  }
0x57: {  	[sflag:s0] =	ssyncadd.s32 @!p0 s1  }
0x58: {  	[bflag:$0x3] =	sbarrier.arrive $0xFFFF  }
0x59: {  	_ =	shalt  }

</sc_bundles>
